<compile_context>
chip_gen: v7x
topology: tpu7x:2x2x1
jax: 0.10.2.dev20260603
libtpu: 0.0.44.dev20260713+nightly
codegen_flags: <defaults>
</compile_context>

<pallas_src>
import functools
import jax
import jax.numpy as jnp
from jax import lax
from jax.experimental import pallas as pl
from jax.experimental.pallas import tpu as pltpu
from jax.experimental.pallas import tpu_sc as plsc

ROWS = 128
COLS = 32768
LANES = 16
NCHUNK = COLS // LANES
UNROLL = 8
NITER = NCHUNK // UNROLL
NWORKERS = 32
ROWS_PER_W = ROWS // NWORKERS

_NEG_INF = float("-inf")


def _combine(v_a, i_a, v_b, i_b):
    take_b = (v_b > v_a) | ((v_b == v_a) & (i_b < i_a))
    return jnp.where(take_b, v_b, v_a), jnp.where(take_b, i_b, i_a)


def _row_argmax(row_v, lane_iota):

    def body(i, carry):
        bests = list(carry[:UNROLL])
        bcnts = list(carry[UNROLL:])
        cbase = i * UNROLL
        for j in range(UNROLL):
            cnum = cbase + j
            chunk = row_v[pl.ds(cnum * LANES, LANES)]
            m = chunk > bests[j]
            bests[j] = jnp.where(m, chunk, bests[j])
            bcnts[j] = jnp.where(m, jnp.full((LANES,), cnum, jnp.int32), bcnts[j])
        return tuple(bests) + tuple(bcnts)

    init = tuple(jnp.full((LANES,), _NEG_INF, jnp.float32) for _ in range(UNROLL)) + tuple(
        jnp.zeros((LANES,), jnp.int32) for _ in range(UNROLL)
    )
    carry = lax.fori_loop(0, NITER, body, init)
    bests = list(carry[:UNROLL])
    gidxs = [carry[UNROLL + j] * LANES + lane_iota for j in range(UNROLL)]

    stride = 1
    while stride < UNROLL:
        for j in range(0, UNROLL, 2 * stride):
            bests[j], gidxs[j] = _combine(
                bests[j], gidxs[j], bests[j + stride], gidxs[j + stride]
            )
        stride *= 2
    best, gidx = bests[0], gidxs[0]

    for shift in (8, 4, 2, 1):
        perm = (lane_iota + shift) & (LANES - 1)
        best, gidx = _combine(best, gidx, best[perm], gidx[perm])
    return gidx


def _body(x_hbm, out_hbm, in0_v, in1_v, oh_v, semi0, semi1, semo):
    c = lax.axis_index("c")
    s = lax.axis_index("s")
    wid = s * 2 + c
    row0 = wid * ROWS_PER_W

    lane_iota = lax.iota(jnp.int32, LANES)
    zeros16 = jnp.zeros((LANES,), jnp.float32)

    in_bufs = (in0_v, in1_v)
    in_sems = (semi0, semi1)

    in_dma = [None] * ROWS_PER_W
    in_dma[0] = pltpu.async_copy(x_hbm.at[row0], in0_v, semi0)
    in_dma[1] = pltpu.async_copy(x_hbm.at[row0 + 1], in1_v, semi1)

    def zbody(i, carry):
        oh_v[pl.ds(i * LANES, LANES)] = zeros16
        return carry

    lax.fori_loop(0, NCHUNK, zbody, 0)

    out_dma = None
    for r in range(ROWS_PER_W):
        buf = in_bufs[r % 2]
        in_dma[r].wait()
        gidx = _row_argmax(buf, lane_iota)
        if r + 2 < ROWS_PER_W:
            in_dma[r + 2] = pltpu.async_copy(
                x_hbm.at[row0 + r + 2], buf, in_sems[r % 2]
            )
        idx = gidx[0]
        base = idx & ~(LANES - 1)
        hot = jnp.where(lane_iota == (idx - base), 1.0, 0.0).astype(jnp.float32)
        if out_dma is not None:
            out_dma.wait()
            oh_v[pl.ds(prev_base, LANES)] = zeros16
        oh_v[pl.ds(base, LANES)] = hot
        out_dma = pltpu.async_copy(oh_v, out_hbm.at[row0 + r], semo)
        prev_base = base
    out_dma.wait()


@functools.partial(
    pl.kernel,
    out_type=jax.ShapeDtypeStruct((ROWS, COLS), jnp.float32),
    mesh=plsc.VectorSubcoreMesh(core_axis_name="c", subcore_axis_name="s"),
    scratch_types=[
        pltpu.VMEM((COLS,), jnp.float32),
        pltpu.VMEM((COLS,), jnp.float32),
        pltpu.VMEM((COLS,), jnp.float32),
        pltpu.SemaphoreType.DMA,
        pltpu.SemaphoreType.DMA,
        pltpu.SemaphoreType.DMA,
    ],
)
def _onehot_argmax(x_hbm, out_hbm, in0_v, in1_v, oh_v, semi0, semi1, semo):
    _body(x_hbm, out_hbm, in0_v, in1_v, oh_v, semi0, semi1, semo)


def kernel(x):
    return _onehot_argmax(x)

# --- scband reference (transcript-rebuilt; emitter-appended) ---
"""Pipeline reference for scband-output-normalization-11098195493487 (READ-ONLY COPY).

The authoritative reference and input builder live on the scoring server;
editing this copy changes nothing except your own understanding.
"""

import jax, jax.numpy as jnp
import numpy as np


def setup_inputs(seed: int = 0) -> dict:
    key = jax.random.key(seed)
    x = jax.random.normal(key, (128, 32768), dtype=jnp.float32)
    return {"x": x}


def reference(x):
    # Faithful translation of tf.one_hot(tf.math.argmax(x, axis=1), x.shape[1], dtype=x.dtype)
    idx = jnp.argmax(x, axis=1)
    return jax.nn.one_hot(idx, x.shape[1], dtype=x.dtype)

if __name__ == "__main__":
    import jax
    _d = setup_inputs()
    print(jax.jit(kernel)(*tuple(_d.values())))

</pallas_src>

<mosaic_0001>
#map = affine_map<(d0, d1) -> (0, 0)>
module attributes {stable_mosaic.version = 14 : i64} {
  func.func @_onehot_argmax(%arg0: i32, %arg1: i32, %arg2: memref<128x32768xf32, #tpu.memory_space<hbm>>, %arg3: memref<128x32768xf32, #tpu.memory_space<hbm>>, %arg4: memref<32768xf32, #tpu.memory_space<vmem>>, %arg5: memref<32768xf32, #tpu.memory_space<vmem>>, %arg6: memref<32768xf32, #tpu.memory_space<vmem>>, %arg7: memref<!tpu.dma_semaphore, #tpu.memory_space<semaphore_mem>>, %arg8: memref<!tpu.dma_semaphore, #tpu.memory_space<semaphore_mem>>, %arg9: memref<!tpu.dma_semaphore, #tpu.memory_space<semaphore_mem>>) attributes {dimension_semantics = [#tpu.dimension_semantics<core_parallel>, #tpu.dimension_semantics<subcore_parallel>], iteration_bounds = array<i64: 2, 16>, scalar_prefetch = 0 : i64, scratch_operands = 6 : i64, tpu.core_type = #tpu.core_type<sc_vector_subcore>, window_params = [{transform_indices = #map}, {transform_indices = #map}]} {
    %mul3A = arith.constant 2 : i32
    %mul3A_0 = arith.muli %arg1, %mul3A : i32
    %add3A = arith.addi %mul3A_0, %arg0 : i32
    %mul3A_1 = arith.constant 4 : i32
    %mul3A_2 = arith.muli %add3A, %mul3A_1 : i32
    %iota3A = tpu.iota {dimensions = array<i32: 0>} : vector<16xi32>
    %broadcast_in_dim3A = arith.constant 0.000000e+00 : f32
    %broadcast_in_dim3A_3 = vector.broadcast %broadcast_in_dim3A : f32 to vector<16xf32>
    %dma_start3A = arith.constant 0 : i32
    %dma_start3A_4 = tpu.memref_slice %arg2[%mul3A_2, %dma_start3A] : memref<128x32768xf32, #tpu.memory_space<hbm>> -> memref<1x32768xf32, #tpu.memory_space<hbm>>
    %dma_start3A_5 = tpu.memref_squeeze %dma_start3A_4 : memref<1x32768xf32, #tpu.memory_space<hbm>> -> memref<32768xf32, #tpu.memory_space<hbm>>
    %dma_start3A_6 = arith.constant 0 : i32
    %dma_start3A_7 = tpu.memref_slice %arg2[%mul3A_2, %dma_start3A_6] : memref<128x32768xf32, #tpu.memory_space<hbm>> -> memref<1x32768xf32, #tpu.memory_space<hbm>>
    %dma_start3A_8 = tpu.memref_squeeze %dma_start3A_7 : memref<1x32768xf32, #tpu.memory_space<hbm>> -> memref<32768xf32, #tpu.memory_space<hbm>>
    tpu.enqueue_dma source(%dma_start3A_8 : memref<32768xf32, #tpu.memory_space<hbm>>) target(%arg4 : memref<32768xf32, #tpu.memory_space<vmem>>) target_semaphore(%arg7 : memref<!tpu.dma_semaphore, #tpu.memory_space<semaphore_mem>>)
    %add3A_9 = arith.constant 1 : i32
    %add3A_10 = arith.addi %mul3A_2, %add3A_9 : i32
    %dma_start3A_11 = arith.constant 0 : i32
    %dma_start3A_12 = tpu.memref_slice %arg2[%add3A_10, %dma_start3A_11] : memref<128x32768xf32, #tpu.memory_space<hbm>> -> memref<1x32768xf32, #tpu.memory_space<hbm>>
    %dma_start3A_13 = tpu.memref_squeeze %dma_start3A_12 : memref<1x32768xf32, #tpu.memory_space<hbm>> -> memref<32768xf32, #tpu.memory_space<hbm>>
    %dma_start3A_14 = arith.constant 0 : i32
    %dma_start3A_15 = tpu.memref_slice %arg2[%add3A_10, %dma_start3A_14] : memref<128x32768xf32, #tpu.memory_space<hbm>> -> memref<1x32768xf32, #tpu.memory_space<hbm>>
    %dma_start3A_16 = tpu.memref_squeeze %dma_start3A_15 : memref<1x32768xf32, #tpu.memory_space<hbm>> -> memref<32768xf32, #tpu.memory_space<hbm>>
    tpu.enqueue_dma source(%dma_start3A_16 : memref<32768xf32, #tpu.memory_space<hbm>>) target(%arg5 : memref<32768xf32, #tpu.memory_space<vmem>>) target_semaphore(%arg8 : memref<!tpu.dma_semaphore, #tpu.memory_space<semaphore_mem>>)
    %scan3A = arith.constant 0 : i32
    %scan3A_17 = arith.constant 0 : i32
    %scan3A_18 = arith.constant 2048 : i32
    %scan3A_19 = arith.addi %scan3A_17, %scan3A_18 : i32
    %scan3A_20 = arith.constant 1 : i32
    scf.for %scan3A_1189 = %scan3A_17 to %scan3A_19 step %scan3A_20  : i32 {
      %mul3A_1190 = arith.constant 16 : i32
      %mul3A_1191 = arith.muli %scan3A_1189, %mul3A_1190 : i32
      %swap3A_1192 = arith.index_cast %mul3A_1191 : i32 to index
      %swap3A_1193 = tpu.vector_load %arg6[%swap3A_1192] {strides = array<i32>} : memref<32768xf32, #tpu.memory_space<vmem>>, vector<16xf32>,
      %swap3A_1194 = vector.shape_cast %swap3A_1193 : vector<16xf32> to vector<16xf32>
      %swap3A_1195 = vector.shape_cast %broadcast_in_dim3A_3 : vector<16xf32> to vector<16xf32>
      tpu.vector_store %arg6[%swap3A_1192], %swap3A_1195 {strides = array<i32>} : memref<32768xf32, #tpu.memory_space<vmem>>, vector<16xf32>,
    }
    %scan3A_21 = arith.constant 2048 : i32
    %dma_wait3A = arith.constant 0 : i32
    %dma_wait3A_22 = tpu.memref_slice %arg2[%mul3A_2, %dma_wait3A] : memref<128x32768xf32, #tpu.memory_space<hbm>> -> memref<1x32768xf32, #tpu.memory_space<hbm>>
    %dma_wait3A_23 = tpu.memref_squeeze %dma_wait3A_22 : memref<1x32768xf32, #tpu.memory_space<hbm>> -> memref<32768xf32, #tpu.memory_space<hbm>>
    %dma_wait3A_24 = arith.constant 0 : i32
    %dma_wait3A_25 = tpu.memref_slice %arg2[%mul3A_2, %dma_wait3A_24] : memref<128x32768xf32, #tpu.memory_space<hbm>> -> memref<1x32768xf32, #tpu.memory_space<hbm>>
    %dma_wait3A_26 = tpu.memref_squeeze %dma_wait3A_25 : memref<1x32768xf32, #tpu.memory_space<hbm>> -> memref<32768xf32, #tpu.memory_space<hbm>>
    tpu.wait_dma2 semaphore(%arg7 : memref<!tpu.dma_semaphore, #tpu.memory_space<semaphore_mem>>) src(%dma_wait3A_26 : memref<32768xf32, #tpu.memory_space<hbm>>) dst(%arg4 : memref<32768xf32, #tpu.memory_space<vmem>>)
    %broadcast_in_dim3A_27 = arith.constant 0xFF800000 : f32
    %broadcast_in_dim3A_28 = vector.broadcast %broadcast_in_dim3A_27 : f32 to vector<16xf32>
    %broadcast_in_dim3A_29 = arith.constant 0xFF800000 : f32
    %broadcast_in_dim3A_30 = vector.broadcast %broadcast_in_dim3A_29 : f32 to vector<16xf32>
    %broadcast_in_dim3A_31 = arith.constant 0xFF800000 : f32
    %broadcast_in_dim3A_32 = vector.broadcast %broadcast_in_dim3A_31 : f32 to vector<16xf32>
    %broadcast_in_dim3A_33 = arith.constant 0xFF800000 : f32
    %broadcast_in_dim3A_34 = vector.broadcast %broadcast_in_dim3A_33 : f32 to vector<16xf32>
    %broadcast_in_dim3A_35 = arith.constant 0xFF800000 : f32
    %broadcast_in_dim3A_36 = vector.broadcast %broadcast_in_dim3A_35 : f32 to vector<16xf32>
    %broadcast_in_dim3A_37 = arith.constant 0xFF800000 : f32
    %broadcast_in_dim3A_38 = vector.broadcast %broadcast_in_dim3A_37 : f32 to vector<16xf32>
    %broadcast_in_dim3A_39 = arith.constant 0xFF800000 : f32
    %broadcast_in_dim3A_40 = vector.broadcast %broadcast_in_dim3A_39 : f32 to vector<16xf32>
    %broadcast_in_dim3A_41 = arith.constant 0xFF800000 : f32
    %broadcast_in_dim3A_42 = vector.broadcast %broadcast_in_dim3A_41 : f32 to vector<16xf32>
    %broadcast_in_dim3A_43 = arith.constant 0 : i32
    %broadcast_in_dim3A_44 = vector.broadcast %broadcast_in_dim3A_43 : i32 to vector<16xi32>
    %broadcast_in_dim3A_45 = arith.constant 0 : i32
    %broadcast_in_dim3A_46 = vector.broadcast %broadcast_in_dim3A_45 : i32 to vector<16xi32>
    %broadcast_in_dim3A_47 = arith.constant 0 : i32
    %broadcast_in_dim3A_48 = vector.broadcast %broadcast_in_dim3A_47 : i32 to vector<16xi32>
    %broadcast_in_dim3A_49 = arith.constant 0 : i32
    %broadcast_in_dim3A_50 = vector.broadcast %broadcast_in_dim3A_49 : i32 to vector<16xi32>
    %broadcast_in_dim3A_51 = arith.constant 0 : i32
    %broadcast_in_dim3A_52 = vector.broadcast %broadcast_in_dim3A_51 : i32 to vector<16xi32>
    %broadcast_in_dim3A_53 = arith.constant 0 : i32
    %broadcast_in_dim3A_54 = vector.broadcast %broadcast_in_dim3A_53 : i32 to vector<16xi32>
    %broadcast_in_dim3A_55 = arith.constant 0 : i32
    %broadcast_in_dim3A_56 = vector.broadcast %broadcast_in_dim3A_55 : i32 to vector<16xi32>
    %broadcast_in_dim3A_57 = arith.constant 0 : i32
    %broadcast_in_dim3A_58 = vector.broadcast %broadcast_in_dim3A_57 : i32 to vector<16xi32>
    %scan3A_59 = arith.constant 0 : i32
    %scan3A_60 = arith.constant 256 : i32
    %scan3A_61 = arith.addi %scan3A_59, %scan3A_60 : i32
    %scan3A_62 = arith.constant 1 : i32
    %scan3A_63:16 = scf.for %scan3A_1189 = %scan3A_59 to %scan3A_61 step %scan3A_62 iter_args(%scan3A_1190 = %broadcast_in_dim3A_28, %scan3A_1191 = %broadcast_in_dim3A_30, %scan3A_1192 = %broadcast_in_dim3A_32, %scan3A_1193 = %broadcast_in_dim3A_34, %scan3A_1194 = %broadcast_in_dim3A_36, %scan3A_1195 = %broadcast_in_dim3A_38, %scan3A_1196 = %broadcast_in_dim3A_40, %scan3A_1197 = %broadcast_in_dim3A_42, %scan3A_1198 = %broadcast_in_dim3A_44, %scan3A_1199 = %broadcast_in_dim3A_46, %scan3A_1200 = %broadcast_in_dim3A_48, %scan3A_1201 = %broadcast_in_dim3A_50, %scan3A_1202 = %broadcast_in_dim3A_52, %scan3A_1203 = %broadcast_in_dim3A_54, %scan3A_1204 = %broadcast_in_dim3A_56, %scan3A_1205 = %broadcast_in_dim3A_58) -> (vector<16xf32>, vector<16xf32>, vector<16xf32>, vector<16xf32>, vector<16xf32>, vector<16xf32>, vector<16xf32>, vector<16xf32>, vector<16xi32>, vector<16xi32>, vector<16xi32>, vector<16xi32>, vector<16xi32>, vector<16xi32>, vector<16xi32>, vector<16xi32>)  : i32 {
      %mul3A_1206 = arith.constant 8 : i32
      %mul3A_1207 = arith.muli %scan3A_1189, %mul3A_1206 : i32
      %add3A_1208 = arith.constant 0 : i32
      %add3A_1209 = arith.addi %mul3A_1207, %add3A_1208 : i32
      %mul3A_1210 = arith.constant 16 : i32
      %mul3A_1211 = arith.muli %add3A_1209, %mul3A_1210 : i32
      %get3A = arith.index_cast %mul3A_1211 : i32 to index
      %get3A_1212 = tpu.vector_load %arg4[%get3A] {strides = array<i32>} : memref<32768xf32, #tpu.memory_space<vmem>>, vector<16xf32>,
      %get3A_1213 = vector.shape_cast %get3A_1212 : vector<16xf32> to vector<16xf32>
      %gt3A_1214 = arith.cmpf ogt, %get3A_1213, %scan3A_1190 : vector<16xf32>
      %select_n3A_1215 = arith.select %gt3A_1214, %get3A_1213, %scan3A_1190 : vector<16xi1>, vector<16xf32>
      %broadcast_in_dim3A_1216 = vector.broadcast %add3A_1209 : i32 to vector<16xi32>
      %select_n3A_1217 = arith.select %gt3A_1214, %broadcast_in_dim3A_1216, %scan3A_1198 : vector<16xi1>, vector<16xi32>
      %add3A_1218 = arith.constant 1 : i32
      %add3A_1219 = arith.addi %mul3A_1207, %add3A_1218 : i32
      %mul3A_1220 = arith.constant 16 : i32
      %mul3A_1221 = arith.muli %add3A_1219, %mul3A_1220 : i32
      %get3A_1222 = arith.index_cast %mul3A_1221 : i32 to index
      %get3A_1223 = tpu.vector_load %arg4[%get3A_1222] {strides = array<i32>} : memref<32768xf32, #tpu.memory_space<vmem>>, vector<16xf32>,
      %get3A_1224 = vector.shape_cast %get3A_1223 : vector<16xf32> to vector<16xf32>
      %gt3A_1225 = arith.cmpf ogt, %get3A_1224, %scan3A_1191 : vector<16xf32>
      %select_n3A_1226 = arith.select %gt3A_1225, %get3A_1224, %scan3A_1191 : vector<16xi1>, vector<16xf32>
      %broadcast_in_dim3A_1227 = vector.broadcast %add3A_1219 : i32 to vector<16xi32>
      %select_n3A_1228 = arith.select %gt3A_1225, %broadcast_in_dim3A_1227, %scan3A_1199 : vector<16xi1>, vector<16xi32>
      %add3A_1229 = arith.constant 2 : i32
      %add3A_1230 = arith.addi %mul3A_1207, %add3A_1229 : i32
      %mul3A_1231 = arith.constant 16 : i32
      %mul3A_1232 = arith.muli %add3A_1230, %mul3A_1231 : i32
      %get3A_1233 = arith.index_cast %mul3A_1232 : i32 to index
      %get3A_1234 = tpu.vector_load %arg4[%get3A_1233] {strides = array<i32>} : memref<32768xf32, #tpu.memory_space<vmem>>, vector<16xf32>,
      %get3A_1235 = vector.shape_cast %get3A_1234 : vector<16xf32> to vector<16xf32>
      %gt3A_1236 = arith.cmpf ogt, %get3A_1235, %scan3A_1192 : vector<16xf32>
      %select_n3A_1237 = arith.select %gt3A_1236, %get3A_1235, %scan3A_1192 : vector<16xi1>, vector<16xf32>
      %broadcast_in_dim3A_1238 = vector.broadcast %add3A_1230 : i32 to vector<16xi32>
      %select_n3A_1239 = arith.select %gt3A_1236, %broadcast_in_dim3A_1238, %scan3A_1200 : vector<16xi1>, vector<16xi32>
      %add3A_1240 = arith.constant 3 : i32
      %add3A_1241 = arith.addi %mul3A_1207, %add3A_1240 : i32
      %mul3A_1242 = arith.constant 16 : i32
      %mul3A_1243 = arith.muli %add3A_1241, %mul3A_1242 : i32
      %get3A_1244 = arith.index_cast %mul3A_1243 : i32 to index
      %get3A_1245 = tpu.vector_load %arg4[%get3A_1244] {strides = array<i32>} : memref<32768xf32, #tpu.memory_space<vmem>>, vector<16xf32>,
      %get3A_1246 = vector.shape_cast %get3A_1245 : vector<16xf32> to vector<16xf32>
      %gt3A_1247 = arith.cmpf ogt, %get3A_1246, %scan3A_1193 : vector<16xf32>
      %select_n3A_1248 = arith.select %gt3A_1247, %get3A_1246, %scan3A_1193 : vector<16xi1>, vector<16xf32>
      %broadcast_in_dim3A_1249 = vector.broadcast %add3A_1241 : i32 to vector<16xi32>
      %select_n3A_1250 = arith.select %gt3A_1247, %broadcast_in_dim3A_1249, %scan3A_1201 : vector<16xi1>, vector<16xi32>
      %add3A_1251 = arith.constant 4 : i32
      %add3A_1252 = arith.addi %mul3A_1207, %add3A_1251 : i32
      %mul3A_1253 = arith.constant 16 : i32
      %mul3A_1254 = arith.muli %add3A_1252, %mul3A_1253 : i32
      %get3A_1255 = arith.index_cast %mul3A_1254 : i32 to index
      %get3A_1256 = tpu.vector_load %arg4[%get3A_1255] {strides = array<i32>} : memref<32768xf32, #tpu.memory_space<vmem>>, vector<16xf32>,
      %get3A_1257 = vector.shape_cast %get3A_1256 : vector<16xf32> to vector<16xf32>
      %gt3A_1258 = arith.cmpf ogt, %get3A_1257, %scan3A_1194 : vector<16xf32>
      %select_n3A_1259 = arith.select %gt3A_1258, %get3A_1257, %scan3A_1194 : vector<16xi1>, vector<16xf32>
      %broadcast_in_dim3A_1260 = vector.broadcast %add3A_1252 : i32 to vector<16xi32>
      %select_n3A_1261 = arith.select %gt3A_1258, %broadcast_in_dim3A_1260, %scan3A_1202 : vector<16xi1>, vector<16xi32>
      %add3A_1262 = arith.constant 5 : i32
      %add3A_1263 = arith.addi %mul3A_1207, %add3A_1262 : i32
      %mul3A_1264 = arith.constant 16 : i32
      %mul3A_1265 = arith.muli %add3A_1263, %mul3A_1264 : i32
      %get3A_1266 = arith.index_cast %mul3A_1265 : i32 to index
      %get3A_1267 = tpu.vector_load %arg4[%get3A_1266] {strides = array<i32>} : memref<32768xf32, #tpu.memory_space<vmem>>, vector<16xf32>,
      %get3A_1268 = vector.shape_cast %get3A_1267 : vector<16xf32> to vector<16xf32>
      %gt3A_1269 = arith.cmpf ogt, %get3A_1268, %scan3A_1195 : vector<16xf32>
      %select_n3A_1270 = arith.select %gt3A_1269, %get3A_1268, %scan3A_1195 : vector<16xi1>, vector<16xf32>
      %broadcast_in_dim3A_1271 = vector.broadcast %add3A_1263 : i32 to vector<16xi32>
      %select_n3A_1272 = arith.select %gt3A_1269, %broadcast_in_dim3A_1271, %scan3A_1203 : vector<16xi1>, vector<16xi32>
      %add3A_1273 = arith.constant 6 : i32
      %add3A_1274 = arith.addi %mul3A_1207, %add3A_1273 : i32
      %mul3A_1275 = arith.constant 16 : i32
      %mul3A_1276 = arith.muli %add3A_1274, %mul3A_1275 : i32
      %get3A_1277 = arith.index_cast %mul3A_1276 : i32 to index
      %get3A_1278 = tpu.vector_load %arg4[%get3A_1277] {strides = array<i32>} : memref<32768xf32, #tpu.memory_space<vmem>>, vector<16xf32>,
      %get3A_1279 = vector.shape_cast %get3A_1278 : vector<16xf32> to vector<16xf32>
      %gt3A_1280 = arith.cmpf ogt, %get3A_1279, %scan3A_1196 : vector<16xf32>
      %select_n3A_1281 = arith.select %gt3A_1280, %get3A_1279, %scan3A_1196 : vector<16xi1>, vector<16xf32>
      %broadcast_in_dim3A_1282 = vector.broadcast %add3A_1274 : i32 to vector<16xi32>
      %select_n3A_1283 = arith.select %gt3A_1280, %broadcast_in_dim3A_1282, %scan3A_1204 : vector<16xi1>, vector<16xi32>
      %add3A_1284 = arith.constant 7 : i32
      %add3A_1285 = arith.addi %mul3A_1207, %add3A_1284 : i32
      %mul3A_1286 = arith.constant 16 : i32
      %mul3A_1287 = arith.muli %add3A_1285, %mul3A_1286 : i32
      %get3A_1288 = arith.index_cast %mul3A_1287 : i32 to index
      %get3A_1289 = tpu.vector_load %arg4[%get3A_1288] {strides = array<i32>} : memref<32768xf32, #tpu.memory_space<vmem>>, vector<16xf32>,
      %get3A_1290 = vector.shape_cast %get3A_1289 : vector<16xf32> to vector<16xf32>
      %gt3A_1291 = arith.cmpf ogt, %get3A_1290, %scan3A_1197 : vector<16xf32>
      %select_n3A_1292 = arith.select %gt3A_1291, %get3A_1290, %scan3A_1197 : vector<16xi1>, vector<16xf32>
      %broadcast_in_dim3A_1293 = vector.broadcast %add3A_1285 : i32 to vector<16xi32>
      %select_n3A_1294 = arith.select %gt3A_1291, %broadcast_in_dim3A_1293, %scan3A_1205 : vector<16xi1>, vector<16xi32>
      scf.yield %select_n3A_1215, %select_n3A_1226, %select_n3A_1237, %select_n3A_1248, %select_n3A_1259, %select_n3A_1270, %select_n3A_1281, %select_n3A_1292, %select_n3A_1217, %select_n3A_1228, %select_n3A_1239, %select_n3A_1250, %select_n3A_1261, %select_n3A_1272, %select_n3A_1283, %select_n3A_1294 : vector<16xf32>, vector<16xf32>, vector<16xf32>, vector<16xf32>, vector<16xf32>, vector<16xf32>, vector<16xf32>, vector<16xf32>, vector<16xi32>, vector<16xi32>, vector<16xi32>, vector<16xi32>, vector<16xi32>, vector<16xi32>, vector<16xi32>, vector<16xi32>
    }
    %scan3A_64 = arith.constant 256 : i32
    %mul3A_65 = arith.constant 16 : i32
    %mul3A_66 = vector.broadcast %mul3A_65 : i32 to vector<16xi32>
    %mul3A_67 = arith.muli %scan3A_63#8, %mul3A_66 : vector<16xi32>
    %add3A_68 = arith.addi %mul3A_67, %iota3A : vector<16xi32>
    %mul3A_69 = arith.constant 16 : i32
    %mul3A_70 = vector.broadcast %mul3A_69 : i32 to vector<16xi32>
    %mul3A_71 = arith.muli %scan3A_63#9, %mul3A_70 : vector<16xi32>
    %add3A_72 = arith.addi %mul3A_71, %iota3A : vector<16xi32>
    %mul3A_73 = arith.constant 16 : i32
    %mul3A_74 = vector.broadcast %mul3A_73 : i32 to vector<16xi32>
    %mul3A_75 = arith.muli %scan3A_63#10, %mul3A_74 : vector<16xi32>
    %add3A_76 = arith.addi %mul3A_75, %iota3A : vector<16xi32>
    %mul3A_77 = arith.constant 16 : i32
    %mul3A_78 = vector.broadcast %mul3A_77 : i32 to vector<16xi32>
    %mul3A_79 = arith.muli %scan3A_63#11, %mul3A_78 : vector<16xi32>
    %add3A_80 = arith.addi %mul3A_79, %iota3A : vector<16xi32>
    %mul3A_81 = arith.constant 16 : i32
    %mul3A_82 = vector.broadcast %mul3A_81 : i32 to vector<16xi32>
    %mul3A_83 = arith.muli %scan3A_63#12, %mul3A_82 : vector<16xi32>
    %add3A_84 = arith.addi %mul3A_83, %iota3A : vector<16xi32>
    %mul3A_85 = arith.constant 16 : i32
    %mul3A_86 = vector.broadcast %mul3A_85 : i32 to vector<16xi32>
    %mul3A_87 = arith.muli %scan3A_63#13, %mul3A_86 : vector<16xi32>
    %add3A_88 = arith.addi %mul3A_87, %iota3A : vector<16xi32>
    %mul3A_89 = arith.constant 16 : i32
    %mul3A_90 = vector.broadcast %mul3A_89 : i32 to vector<16xi32>
    %mul3A_91 = arith.muli %scan3A_63#14, %mul3A_90 : vector<16xi32>
    %add3A_92 = arith.addi %mul3A_91, %iota3A : vector<16xi32>
    %mul3A_93 = arith.constant 16 : i32
    %mul3A_94 = vector.broadcast %mul3A_93 : i32 to vector<16xi32>
    %mul3A_95 = arith.muli %scan3A_63#15, %mul3A_94 : vector<16xi32>
    %add3A_96 = arith.addi %mul3A_95, %iota3A : vector<16xi32>
    %gt3A = arith.cmpf ogt, %scan3A_63#1, %scan3A_63#0 : vector<16xf32>
    %eq3A = arith.cmpf oeq, %scan3A_63#1, %scan3A_63#0 : vector<16xf32>
    %lt3A = arith.cmpi slt, %add3A_72, %add3A_68 : vector<16xi32>
    %and3A = arith.andi %eq3A, %lt3A : vector<16xi1>
    %or3A = arith.ori %gt3A, %and3A : vector<16xi1>
    %select_n3A = arith.select %or3A, %scan3A_63#1, %scan3A_63#0 : vector<16xi1>, vector<16xf32>
    %select_n3A_97 = arith.select %or3A, %add3A_72, %add3A_68 : vector<16xi1>, vector<16xi32>
    %gt3A_98 = arith.cmpf ogt, %scan3A_63#3, %scan3A_63#2 : vector<16xf32>
    %eq3A_99 = arith.cmpf oeq, %scan3A_63#3, %scan3A_63#2 : vector<16xf32>
    %lt3A_100 = arith.cmpi slt, %add3A_80, %add3A_76 : vector<16xi32>
    %and3A_101 = arith.andi %eq3A_99, %lt3A_100 : vector<16xi1>
    %or3A_102 = arith.ori %gt3A_98, %and3A_101 : vector<16xi1>
    %select_n3A_103 = arith.select %or3A_102, %scan3A_63#3, %scan3A_63#2 : vector<16xi1>, vector<16xf32>
    %select_n3A_104 = arith.select %or3A_102, %add3A_80, %add3A_76 : vector<16xi1>, vector<16xi32>
    %gt3A_105 = arith.cmpf ogt, %scan3A_63#5, %scan3A_63#4 : vector<16xf32>
    %eq3A_106 = arith.cmpf oeq, %scan3A_63#5, %scan3A_63#4 : vector<16xf32>
    %lt3A_107 = arith.cmpi slt, %add3A_88, %add3A_84 : vector<16xi32>
    %and3A_108 = arith.andi %eq3A_106, %lt3A_107 : vector<16xi1>
    %or3A_109 = arith.ori %gt3A_105, %and3A_108 : vector<16xi1>
    %select_n3A_110 = arith.select %or3A_109, %scan3A_63#5, %scan3A_63#4 : vector<16xi1>, vector<16xf32>
    %select_n3A_111 = arith.select %or3A_109, %add3A_88, %add3A_84 : vector<16xi1>, vector<16xi32>
    %gt3A_112 = arith.cmpf ogt, %scan3A_63#7, %scan3A_63#6 : vector<16xf32>
    %eq3A_113 = arith.cmpf oeq, %scan3A_63#7, %scan3A_63#6 : vector<16xf32>
    %lt3A_114 = arith.cmpi slt, %add3A_96, %add3A_92 : vector<16xi32>
    %and3A_115 = arith.andi %eq3A_113, %lt3A_114 : vector<16xi1>
    %or3A_116 = arith.ori %gt3A_112, %and3A_115 : vector<16xi1>
    %select_n3A_117 = arith.select %or3A_116, %scan3A_63#7, %scan3A_63#6 : vector<16xi1>, vector<16xf32>
    %select_n3A_118 = arith.select %or3A_116, %add3A_96, %add3A_92 : vector<16xi1>, vector<16xi32>
    %gt3A_119 = arith.cmpf ogt, %select_n3A_103, %select_n3A : vector<16xf32>
    %eq3A_120 = arith.cmpf oeq, %select_n3A_103, %select_n3A : vector<16xf32>
    %lt3A_121 = arith.cmpi slt, %select_n3A_104, %select_n3A_97 : vector<16xi32>
    %and3A_122 = arith.andi %eq3A_120, %lt3A_121 : vector<16xi1>
    %or3A_123 = arith.ori %gt3A_119, %and3A_122 : vector<16xi1>
    %select_n3A_124 = arith.select %or3A_123, %select_n3A_103, %select_n3A : vector<16xi1>, vector<16xf32>
    %select_n3A_125 = arith.select %or3A_123, %select_n3A_104, %select_n3A_97 : vector<16xi1>, vector<16xi32>
    %gt3A_126 = arith.cmpf ogt, %select_n3A_117, %select_n3A_110 : vector<16xf32>
    %eq3A_127 = arith.cmpf oeq, %select_n3A_117, %select_n3A_110 : vector<16xf32>
    %lt3A_128 = arith.cmpi slt, %select_n3A_118, %select_n3A_111 : vector<16xi32>
    %and3A_129 = arith.andi %eq3A_127, %lt3A_128 : vector<16xi1>
    %or3A_130 = arith.ori %gt3A_126, %and3A_129 : vector<16xi1>
    %select_n3A_131 = arith.select %or3A_130, %select_n3A_117, %select_n3A_110 : vector<16xi1>, vector<16xf32>
    %select_n3A_132 = arith.select %or3A_130, %select_n3A_118, %select_n3A_111 : vector<16xi1>, vector<16xi32>
    %gt3A_133 = arith.cmpf ogt, %select_n3A_131, %select_n3A_124 : vector<16xf32>
    %eq3A_134 = arith.cmpf oeq, %select_n3A_131, %select_n3A_124 : vector<16xf32>
    %lt3A_135 = arith.cmpi slt, %select_n3A_132, %select_n3A_125 : vector<16xi32>
    %and3A_136 = arith.andi %eq3A_134, %lt3A_135 : vector<16xi1>
    %or3A_137 = arith.ori %gt3A_133, %and3A_136 : vector<16xi1>
    %select_n3A_138 = arith.select %or3A_137, %select_n3A_131, %select_n3A_124 : vector<16xi1>, vector<16xf32>
    %select_n3A_139 = arith.select %or3A_137, %select_n3A_132, %select_n3A_125 : vector<16xi1>, vector<16xi32>
    %add3A_140 = arith.constant 8 : i32
    %add3A_141 = vector.broadcast %add3A_140 : i32 to vector<16xi32>
    %add3A_142 = arith.addi %iota3A, %add3A_141 : vector<16xi32>
    %and3A_143 = arith.constant 15 : i32
    %and3A_144 = vector.broadcast %and3A_143 : i32 to vector<16xi32>
    %and3A_145 = arith.andi %add3A_142, %and3A_144 : vector<16xi32>
    %lt3A_146 = arith.constant 0 : i32
    %lt3A_147 = vector.broadcast %lt3A_146 : i32 to vector<16xi32>
    %lt3A_148 = arith.cmpi slt, %and3A_145, %lt3A_147 : vector<16xi32>
    %add3A_149 = arith.constant 16 : i32
    %add3A_150 = vector.broadcast %add3A_149 : i32 to vector<16xi32>
    %add3A_151 = arith.addi %and3A_145, %add3A_150 : vector<16xi32>
    %select_n3A_152 = arith.select %lt3A_148, %add3A_151, %and3A_145 : vector<16xi1>, vector<16xi32>
    %broadcast_in_dim3A_153 = vector.shape_cast %select_n3A_152 : vector<16xi32> to vector<16x1xi32>
    %gather3A = vector.shape_cast %broadcast_in_dim3A_153 : vector<16x1xi32> to vector<16xi32>
    %gather3A_154 = tpu.dynamic_gather %select_n3A_138[%gather3A] in [0] : vector<16xf32>, vector<16xi32> -> vector<16xf32>
    %lt3A_155 = arith.constant 0 : i32
    %lt3A_156 = vector.broadcast %lt3A_155 : i32 to vector<16xi32>
    %lt3A_157 = arith.cmpi slt, %and3A_145, %lt3A_156 : vector<16xi32>
    %add3A_158 = arith.constant 16 : i32
    %add3A_159 = vector.broadcast %add3A_158 : i32 to vector<16xi32>
    %add3A_160 = arith.addi %and3A_145, %add3A_159 : vector<16xi32>
    %select_n3A_161 = arith.select %lt3A_157, %add3A_160, %and3A_145 : vector<16xi1>, vector<16xi32>
    %broadcast_in_dim3A_162 = vector.shape_cast %select_n3A_161 : vector<16xi32> to vector<16x1xi32>
    %gather3A_163 = vector.shape_cast %broadcast_in_dim3A_162 : vector<16x1xi32> to vector<16xi32>
    %gather3A_164 = tpu.dynamic_gather %select_n3A_139[%gather3A_163] in [0] : vector<16xi32>, vector<16xi32> -> vector<16xi32>
    %gt3A_165 = arith.cmpf ogt, %gather3A_154, %select_n3A_138 : vector<16xf32>
    %eq3A_166 = arith.cmpf oeq, %gather3A_154, %select_n3A_138 : vector<16xf32>
    %lt3A_167 = arith.cmpi slt, %gather3A_164, %select_n3A_139 : vector<16xi32>
    %and3A_168 = arith.andi %eq3A_166, %lt3A_167 : vector<16xi1>
    %or3A_169 = arith.ori %gt3A_165, %and3A_168 : vector<16xi1>
    %select_n3A_170 = arith.select %or3A_169, %gather3A_154, %select_n3A_138 : vector<16xi1>, vector<16xf32>
    %select_n3A_171 = arith.select %or3A_169, %gather3A_164, %select_n3A_139 : vector<16xi1>, vector<16xi32>
    %add3A_172 = arith.constant 4 : i32
    %add3A_173 = vector.broadcast %add3A_172 : i32 to vector<16xi32>
    %add3A_174 = arith.addi %iota3A, %add3A_173 : vector<16xi32>
    %and3A_175 = arith.constant 15 : i32
    %and3A_176 = vector.broadcast %and3A_175 : i32 to vector<16xi32>
    %and3A_177 = arith.andi %add3A_174, %and3A_176 : vector<16xi32>
    %lt3A_178 = arith.constant 0 : i32
    %lt3A_179 = vector.broadcast %lt3A_178 : i32 to vector<16xi32>
    %lt3A_180 = arith.cmpi slt, %and3A_177, %lt3A_179 : vector<16xi32>
    %add3A_181 = arith.constant 16 : i32
    %add3A_182 = vector.broadcast %add3A_181 : i32 to vector<16xi32>
    %add3A_183 = arith.addi %and3A_177, %add3A_182 : vector<16xi32>
    %select_n3A_184 = arith.select %lt3A_180, %add3A_183, %and3A_177 : vector<16xi1>, vector<16xi32>
    %broadcast_in_dim3A_185 = vector.shape_cast %select_n3A_184 : vector<16xi32> to vector<16x1xi32>
    %gather3A_186 = vector.shape_cast %broadcast_in_dim3A_185 : vector<16x1xi32> to vector<16xi32>
    %gather3A_187 = tpu.dynamic_gather %select_n3A_170[%gather3A_186] in [0] : vector<16xf32>, vector<16xi32> -> vector<16xf32>
    %lt3A_188 = arith.constant 0 : i32
    %lt3A_189 = vector.broadcast %lt3A_188 : i32 to vector<16xi32>
    %lt3A_190 = arith.cmpi slt, %and3A_177, %lt3A_189 : vector<16xi32>
    %add3A_191 = arith.constant 16 : i32
    %add3A_192 = vector.broadcast %add3A_191 : i32 to vector<16xi32>
    %add3A_193 = arith.addi %and3A_177, %add3A_192 : vector<16xi32>
    %select_n3A_194 = arith.select %lt3A_190, %add3A_193, %and3A_177 : vector<16xi1>, vector<16xi32>
    %broadcast_in_dim3A_195 = vector.shape_cast %select_n3A_194 : vector<16xi32> to vector<16x1xi32>
    %gather3A_196 = vector.shape_cast %broadcast_in_dim3A_195 : vector<16x1xi32> to vector<16xi32>
    %gather3A_197 = tpu.dynamic_gather %select_n3A_171[%gather3A_196] in [0] : vector<16xi32>, vector<16xi32> -> vector<16xi32>
    %gt3A_198 = arith.cmpf ogt, %gather3A_187, %select_n3A_170 : vector<16xf32>
    %eq3A_199 = arith.cmpf oeq, %gather3A_187, %select_n3A_170 : vector<16xf32>
    %lt3A_200 = arith.cmpi slt, %gather3A_197, %select_n3A_171 : vector<16xi32>
    %and3A_201 = arith.andi %eq3A_199, %lt3A_200 : vector<16xi1>
    %or3A_202 = arith.ori %gt3A_198, %and3A_201 : vector<16xi1>
    %select_n3A_203 = arith.select %or3A_202, %gather3A_187, %select_n3A_170 : vector<16xi1>, vector<16xf32>
    %select_n3A_204 = arith.select %or3A_202, %gather3A_197, %select_n3A_171 : vector<16xi1>, vector<16xi32>
    %add3A_205 = arith.constant 2 : i32
    %add3A_206 = vector.broadcast %add3A_205 : i32 to vector<16xi32>
    %add3A_207 = arith.addi %iota3A, %add3A_206 : vector<16xi32>
    %and3A_208 = arith.constant 15 : i32
    %and3A_209 = vector.broadcast %and3A_208 : i32 to vector<16xi32>
    %and3A_210 = arith.andi %add3A_207, %and3A_209 : vector<16xi32>
    %lt3A_211 = arith.constant 0 : i32
    %lt3A_212 = vector.broadcast %lt3A_211 : i32 to vector<16xi32>
    %lt3A_213 = arith.cmpi slt, %and3A_210, %lt3A_212 : vector<16xi32>
    %add3A_214 = arith.constant 16 : i32
    %add3A_215 = vector.broadcast %add3A_214 : i32 to vector<16xi32>
    %add3A_216 = arith.addi %and3A_210, %add3A_215 : vector<16xi32>
    %select_n3A_217 = arith.select %lt3A_213, %add3A_216, %and3A_210 : vector<16xi1>, vector<16xi32>
    %broadcast_in_dim3A_218 = vector.shape_cast %select_n3A_217 : vector<16xi32> to vector<16x1xi32>
    %gather3A_219 = vector.shape_cast %broadcast_in_dim3A_218 : vector<16x1xi32> to vector<16xi32>
    %gather3A_220 = tpu.dynamic_gather %select_n3A_203[%gather3A_219] in [0] : vector<16xf32>, vector<16xi32> -> vector<16xf32>
    %lt3A_221 = arith.constant 0 : i32
    %lt3A_222 = vector.broadcast %lt3A_221 : i32 to vector<16xi32>
    %lt3A_223 = arith.cmpi slt, %and3A_210, %lt3A_222 : vector<16xi32>
    %add3A_224 = arith.constant 16 : i32
    %add3A_225 = vector.broadcast %add3A_224 : i32 to vector<16xi32>
    %add3A_226 = arith.addi %and3A_210, %add3A_225 : vector<16xi32>
    %select_n3A_227 = arith.select %lt3A_223, %add3A_226, %and3A_210 : vector<16xi1>, vector<16xi32>
    %broadcast_in_dim3A_228 = vector.shape_cast %select_n3A_227 : vector<16xi32> to vector<16x1xi32>
    %gather3A_229 = vector.shape_cast %broadcast_in_dim3A_228 : vector<16x1xi32> to vector<16xi32>
    %gather3A_230 = tpu.dynamic_gather %select_n3A_204[%gather3A_229] in [0] : vector<16xi32>, vector<16xi32> -> vector<16xi32>
    %gt3A_231 = arith.cmpf ogt, %gather3A_220, %select_n3A_203 : vector<16xf32>
    %eq3A_232 = arith.cmpf oeq, %gather3A_220, %select_n3A_203 : vector<16xf32>
    %lt3A_233 = arith.cmpi slt, %gather3A_230, %select_n3A_204 : vector<16xi32>
    %and3A_234 = arith.andi %eq3A_232, %lt3A_233 : vector<16xi1>
    %or3A_235 = arith.ori %gt3A_231, %and3A_234 : vector<16xi1>
    %select_n3A_236 = arith.select %or3A_235, %gather3A_220, %select_n3A_203 : vector<16xi1>, vector<16xf32>
    %select_n3A_237 = arith.select %or3A_235, %gather3A_230, %select_n3A_204 : vector<16xi1>, vector<16xi32>
    %add3A_238 = arith.constant 1 : i32
    %add3A_239 = vector.broadcast %add3A_238 : i32 to vector<16xi32>
    %add3A_240 = arith.addi %iota3A, %add3A_239 : vector<16xi32>
    %and3A_241 = arith.constant 15 : i32
    %and3A_242 = vector.broadcast %and3A_241 : i32 to vector<16xi32>
    %and3A_243 = arith.andi %add3A_240, %and3A_242 : vector<16xi32>
    %lt3A_244 = arith.constant 0 : i32
    %lt3A_245 = vector.broadcast %lt3A_244 : i32 to vector<16xi32>
    %lt3A_246 = arith.cmpi slt, %and3A_243, %lt3A_245 : vector<16xi32>
    %add3A_247 = arith.constant 16 : i32
    %add3A_248 = vector.broadcast %add3A_247 : i32 to vector<16xi32>
    %add3A_249 = arith.addi %and3A_243, %add3A_248 : vector<16xi32>
    %select_n3A_250 = arith.select %lt3A_246, %add3A_249, %and3A_243 : vector<16xi1>, vector<16xi32>
    %broadcast_in_dim3A_251 = vector.shape_cast %select_n3A_250 : vector<16xi32> to vector<16x1xi32>
    %gather3A_252 = vector.shape_cast %broadcast_in_dim3A_251 : vector<16x1xi32> to vector<16xi32>
    %gather3A_253 = tpu.dynamic_gather %select_n3A_236[%gather3A_252] in [0] : vector<16xf32>, vector<16xi32> -> vector<16xf32>
    %lt3A_254 = arith.constant 0 : i32
    %lt3A_255 = vector.broadcast %lt3A_254 : i32 to vector<16xi32>
    %lt3A_256 = arith.cmpi slt, %and3A_243, %lt3A_255 : vector<16xi32>
    %add3A_257 = arith.constant 16 : i32
    %add3A_258 = vector.broadcast %add3A_257 : i32 to vector<16xi32>
    %add3A_259 = arith.addi %and3A_243, %add3A_258 : vector<16xi32>
    %select_n3A_260 = arith.select %lt3A_256, %add3A_259, %and3A_243 : vector<16xi1>, vector<16xi32>
    %broadcast_in_dim3A_261 = vector.shape_cast %select_n3A_260 : vector<16xi32> to vector<16x1xi32>
    %gather3A_262 = vector.shape_cast %broadcast_in_dim3A_261 : vector<16x1xi32> to vector<16xi32>
    %gather3A_263 = tpu.dynamic_gather %select_n3A_237[%gather3A_262] in [0] : vector<16xi32>, vector<16xi32> -> vector<16xi32>
    %gt3A_264 = arith.cmpf ogt, %gather3A_253, %select_n3A_236 : vector<16xf32>
    %eq3A_265 = arith.cmpf oeq, %gather3A_253, %select_n3A_236 : vector<16xf32>
    %lt3A_266 = arith.cmpi slt, %gather3A_263, %select_n3A_237 : vector<16xi32>
    %and3A_267 = arith.andi %eq3A_265, %lt3A_266 : vector<16xi1>
    %or3A_268 = arith.ori %gt3A_264, %and3A_267 : vector<16xi1>
    %select_n3A_269 = arith.select %or3A_268, %gather3A_253, %select_n3A_236 : vector<16xi1>, vector<16xf32>
    %select_n3A_270 = arith.select %or3A_268, %gather3A_263, %select_n3A_237 : vector<16xi1>, vector<16xi32>
    %add3A_271 = arith.constant 0 : i32
    %add3A_272 = arith.addi %mul3A_2, %add3A_271 : i32
    %add3A_273 = arith.constant 2 : i32
    %add3A_274 = arith.addi %add3A_272, %add3A_273 : i32
    %dma_start3A_275 = arith.constant 0 : i32
    %dma_start3A_276 = tpu.memref_slice %arg2[%add3A_274, %dma_start3A_275] : memref<128x32768xf32, #tpu.memory_space<hbm>> -> memref<1x32768xf32, #tpu.memory_space<hbm>>
    %dma_start3A_277 = tpu.memref_squeeze %dma_start3A_276 : memref<1x32768xf32, #tpu.memory_space<hbm>> -> memref<32768xf32, #tpu.memory_space<hbm>>
    %dma_start3A_278 = arith.constant 0 : i32
    %dma_start3A_279 = tpu.memref_slice %arg2[%add3A_274, %dma_start3A_278] : memref<128x32768xf32, #tpu.memory_space<hbm>> -> memref<1x32768xf32, #tpu.memory_space<hbm>>
    %dma_start3A_280 = tpu.memref_squeeze %dma_start3A_279 : memref<1x32768xf32, #tpu.memory_space<hbm>> -> memref<32768xf32, #tpu.memory_space<hbm>>
    tpu.enqueue_dma source(%dma_start3A_280 : memref<32768xf32, #tpu.memory_space<hbm>>) target(%arg4 : memref<32768xf32, #tpu.memory_space<vmem>>) target_semaphore(%arg7 : memref<!tpu.dma_semaphore, #tpu.memory_space<semaphore_mem>>)
    %slice3A = vector.extract_strided_slice %select_n3A_270 {offsets = [0], sizes = [1], strides = [1]} : vector<16xi32> to vector<1xi32>
    %squeeze3A = vector.extract %slice3A[0] : i32 from vector<1xi32>
    %and3A_281 = arith.constant -16 : i32
    %and3A_282 = arith.andi %squeeze3A, %and3A_281 : i32
    %sub3A = arith.subi %squeeze3A, %and3A_282 : i32
    %eq3A_283 = vector.broadcast %sub3A : i32 to vector<16xi32>
    %eq3A_284 = arith.cmpi eq, %iota3A, %eq3A_283 : vector<16xi32>
    %jit3A = arith.constant 1.000000e+00 : f32
    %jit3A_285 = arith.constant 0.000000e+00 : f32
    %broadcast_in_dim3A_286 = vector.broadcast %jit3A : f32 to vector<16xf32>
    %broadcast_in_dim3A_287 = vector.broadcast %jit3A_285 : f32 to vector<16xf32>
    %select_n3A_288 = arith.select %eq3A_284, %broadcast_in_dim3A_286, %broadcast_in_dim3A_287 : vector<16xi1>, vector<16xf32>
    %swap3A = arith.index_cast %and3A_282 : i32 to index
    %swap3A_289 = tpu.vector_load %arg6[%swap3A] {strides = array<i32>} : memref<32768xf32, #tpu.memory_space<vmem>>, vector<16xf32>,
    %swap3A_290 = vector.shape_cast %swap3A_289 : vector<16xf32> to vector<16xf32>
    %swap3A_291 = vector.shape_cast %select_n3A_288 : vector<16xf32> to vector<16xf32>
    tpu.vector_store %arg6[%swap3A], %swap3A_291 {strides = array<i32>} : memref<32768xf32, #tpu.memory_space<vmem>>, vector<16xf32>,
    %add3A_292 = arith.constant 0 : i32
    %add3A_293 = arith.addi %mul3A_2, %add3A_292 : i32
    %dma_start3A_294 = arith.constant 0 : i32
    %dma_start3A_295 = tpu.memref_slice %arg3[%add3A_293, %dma_start3A_294] : memref<128x32768xf32, #tpu.memory_space<hbm>> -> memref<1x32768xf32, #tpu.memory_space<hbm>>
    %dma_start3A_296 = tpu.memref_squeeze %dma_start3A_295 : memref<1x32768xf32, #tpu.memory_space<hbm>> -> memref<32768xf32, #tpu.memory_space<hbm>>
    %dma_start3A_297 = arith.constant 0 : i32
    %dma_start3A_298 = tpu.memref_slice %arg3[%add3A_293, %dma_start3A_297] : memref<128x32768xf32, #tpu.memory_space<hbm>> -> memref<1x32768xf32, #tpu.memory_space<hbm>>
    %dma_start3A_299 = tpu.memref_squeeze %dma_start3A_298 : memref<1x32768xf32, #tpu.memory_space<hbm>> -> memref<32768xf32, #tpu.memory_space<hbm>>
    tpu.enqueue_dma source(%arg6 : memref<32768xf32, #tpu.memory_space<vmem>>) target(%dma_start3A_299 : memref<32768xf32, #tpu.memory_space<hbm>>) target_semaphore(%arg9 : memref<!tpu.dma_semaphore, #tpu.memory_space<semaphore_mem>>)
    %dma_wait3A_300 = arith.constant 0 : i32
    %dma_wait3A_301 = tpu.memref_slice %arg2[%add3A_10, %dma_wait3A_300] : memref<128x32768xf32, #tpu.memory_space<hbm>> -> memref<1x32768xf32, #tpu.memory_space<hbm>>
    %dma_wait3A_302 = tpu.memref_squeeze %dma_wait3A_301 : memref<1x32768xf32, #tpu.memory_space<hbm>> -> memref<32768xf32, #tpu.memory_space<hbm>>
    %dma_wait3A_303 = arith.constant 0 : i32
    %dma_wait3A_304 = tpu.memref_slice %arg2[%add3A_10, %dma_wait3A_303] : memref<128x32768xf32, #tpu.memory_space<hbm>> -> memref<1x32768xf32, #tpu.memory_space<hbm>>
    %dma_wait3A_305 = tpu.memref_squeeze %dma_wait3A_304 : memref<1x32768xf32, #tpu.memory_space<hbm>> -> memref<32768xf32, #tpu.memory_space<hbm>>
    tpu.wait_dma2 semaphore(%arg8 : memref<!tpu.dma_semaphore, #tpu.memory_space<semaphore_mem>>) src(%dma_wait3A_305 : memref<32768xf32, #tpu.memory_space<hbm>>) dst(%arg5 : memref<32768xf32, #tpu.memory_space<vmem>>)
    %broadcast_in_dim3A_306 = arith.constant 0xFF800000 : f32
    %broadcast_in_dim3A_307 = vector.broadcast %broadcast_in_dim3A_306 : f32 to vector<16xf32>
    %broadcast_in_dim3A_308 = arith.constant 0xFF800000 : f32
    %broadcast_in_dim3A_309 = vector.broadcast %broadcast_in_dim3A_308 : f32 to vector<16xf32>
    %broadcast_in_dim3A_310 = arith.constant 0xFF800000 : f32
    %broadcast_in_dim3A_311 = vector.broadcast %broadcast_in_dim3A_310 : f32 to vector<16xf32>
    %broadcast_in_dim3A_312 = arith.constant 0xFF800000 : f32
    %broadcast_in_dim3A_313 = vector.broadcast %broadcast_in_dim3A_312 : f32 to vector<16xf32>
    %broadcast_in_dim3A_314 = arith.constant 0xFF800000 : f32
    %broadcast_in_dim3A_315 = vector.broadcast %broadcast_in_dim3A_314 : f32 to vector<16xf32>
    %broadcast_in_dim3A_316 = arith.constant 0xFF800000 : f32
    %broadcast_in_dim3A_317 = vector.broadcast %broadcast_in_dim3A_316 : f32 to vector<16xf32>
    %broadcast_in_dim3A_318 = arith.constant 0xFF800000 : f32
    %broadcast_in_dim3A_319 = vector.broadcast %broadcast_in_dim3A_318 : f32 to vector<16xf32>
    %broadcast_in_dim3A_320 = arith.constant 0xFF800000 : f32
    %broadcast_in_dim3A_321 = vector.broadcast %broadcast_in_dim3A_320 : f32 to vector<16xf32>
    %broadcast_in_dim3A_322 = arith.constant 0 : i32
    %broadcast_in_dim3A_323 = vector.broadcast %broadcast_in_dim3A_322 : i32 to vector<16xi32>
    %broadcast_in_dim3A_324 = arith.constant 0 : i32
    %broadcast_in_dim3A_325 = vector.broadcast %broadcast_in_dim3A_324 : i32 to vector<16xi32>
    %broadcast_in_dim3A_326 = arith.constant 0 : i32
    %broadcast_in_dim3A_327 = vector.broadcast %broadcast_in_dim3A_326 : i32 to vector<16xi32>
    %broadcast_in_dim3A_328 = arith.constant 0 : i32
    %broadcast_in_dim3A_329 = vector.broadcast %broadcast_in_dim3A_328 : i32 to vector<16xi32>
    %broadcast_in_dim3A_330 = arith.constant 0 : i32
    %broadcast_in_dim3A_331 = vector.broadcast %broadcast_in_dim3A_330 : i32 to vector<16xi32>
    %broadcast_in_dim3A_332 = arith.constant 0 : i32
    %broadcast_in_dim3A_333 = vector.broadcast %broadcast_in_dim3A_332 : i32 to vector<16xi32>
    %broadcast_in_dim3A_334 = arith.constant 0 : i32
    %broadcast_in_dim3A_335 = vector.broadcast %broadcast_in_dim3A_334 : i32 to vector<16xi32>
    %broadcast_in_dim3A_336 = arith.constant 0 : i32
    %broadcast_in_dim3A_337 = vector.broadcast %broadcast_in_dim3A_336 : i32 to vector<16xi32>
    %scan3A_338 = arith.constant 0 : i32
    %scan3A_339 = arith.constant 256 : i32
    %scan3A_340 = arith.addi %scan3A_338, %scan3A_339 : i32
    %scan3A_341 = arith.constant 1 : i32
    %scan3A_342:16 = scf.for %scan3A_1189 = %scan3A_338 to %scan3A_340 step %scan3A_341 iter_args(%scan3A_1190 = %broadcast_in_dim3A_307, %scan3A_1191 = %broadcast_in_dim3A_309, %scan3A_1192 = %broadcast_in_dim3A_311, %scan3A_1193 = %broadcast_in_dim3A_313, %scan3A_1194 = %broadcast_in_dim3A_315, %scan3A_1195 = %broadcast_in_dim3A_317, %scan3A_1196 = %broadcast_in_dim3A_319, %scan3A_1197 = %broadcast_in_dim3A_321, %scan3A_1198 = %broadcast_in_dim3A_323, %scan3A_1199 = %broadcast_in_dim3A_325, %scan3A_1200 = %broadcast_in_dim3A_327, %scan3A_1201 = %broadcast_in_dim3A_329, %scan3A_1202 = %broadcast_in_dim3A_331, %scan3A_1203 = %broadcast_in_dim3A_333, %scan3A_1204 = %broadcast_in_dim3A_335, %scan3A_1205 = %broadcast_in_dim3A_337) -> (vector<16xf32>, vector<16xf32>, vector<16xf32>, vector<16xf32>, vector<16xf32>, vector<16xf32>, vector<16xf32>, vector<16xf32>, vector<16xi32>, vector<16xi32>, vector<16xi32>, vector<16xi32>, vector<16xi32>, vector<16xi32>, vector<16xi32>, vector<16xi32>)  : i32 {
      %mul3A_1206 = arith.constant 8 : i32
      %mul3A_1207 = arith.muli %scan3A_1189, %mul3A_1206 : i32
      %add3A_1208 = arith.constant 0 : i32
      %add3A_1209 = arith.addi %mul3A_1207, %add3A_1208 : i32
      %mul3A_1210 = arith.constant 16 : i32
      %mul3A_1211 = arith.muli %add3A_1209, %mul3A_1210 : i32
      %get3A = arith.index_cast %mul3A_1211 : i32 to index
      %get3A_1212 = tpu.vector_load %arg5[%get3A] {strides = array<i32>} : memref<32768xf32, #tpu.memory_space<vmem>>, vector<16xf32>,
      %get3A_1213 = vector.shape_cast %get3A_1212 : vector<16xf32> to vector<16xf32>
      %gt3A_1214 = arith.cmpf ogt, %get3A_1213, %scan3A_1190 : vector<16xf32>
      %select_n3A_1215 = arith.select %gt3A_1214, %get3A_1213, %scan3A_1190 : vector<16xi1>, vector<16xf32>
      %broadcast_in_dim3A_1216 = vector.broadcast %add3A_1209 : i32 to vector<16xi32>
      %select_n3A_1217 = arith.select %gt3A_1214, %broadcast_in_dim3A_1216, %scan3A_1198 : vector<16xi1>, vector<16xi32>
      %add3A_1218 = arith.constant 1 : i32
      %add3A_1219 = arith.addi %mul3A_1207, %add3A_1218 : i32
      %mul3A_1220 = arith.constant 16 : i32
      %mul3A_1221 = arith.muli %add3A_1219, %mul3A_1220 : i32
      %get3A_1222 = arith.index_cast %mul3A_1221 : i32 to index
      %get3A_1223 = tpu.vector_load %arg5[%get3A_1222] {strides = array<i32>} : memref<32768xf32, #tpu.memory_space<vmem>>, vector<16xf32>,
      %get3A_1224 = vector.shape_cast %get3A_1223 : vector<16xf32> to vector<16xf32>
      %gt3A_1225 = arith.cmpf ogt, %get3A_1224, %scan3A_1191 : vector<16xf32>
      %select_n3A_1226 = arith.select %gt3A_1225, %get3A_1224, %scan3A_1191 : vector<16xi1>, vector<16xf32>
      %broadcast_in_dim3A_1227 = vector.broadcast %add3A_1219 : i32 to vector<16xi32>
      %select_n3A_1228 = arith.select %gt3A_1225, %broadcast_in_dim3A_1227, %scan3A_1199 : vector<16xi1>, vector<16xi32>
      %add3A_1229 = arith.constant 2 : i32
      %add3A_1230 = arith.addi %mul3A_1207, %add3A_1229 : i32
      %mul3A_1231 = arith.constant 16 : i32
      %mul3A_1232 = arith.muli %add3A_1230, %mul3A_1231 : i32
      %get3A_1233 = arith.index_cast %mul3A_1232 : i32 to index
      %get3A_1234 = tpu.vector_load %arg5[%get3A_1233] {strides = array<i32>} : memref<32768xf32, #tpu.memory_space<vmem>>, vector<16xf32>,
      %get3A_1235 = vector.shape_cast %get3A_1234 : vector<16xf32> to vector<16xf32>
      %gt3A_1236 = arith.cmpf ogt, %get3A_1235, %scan3A_1192 : vector<16xf32>
      %select_n3A_1237 = arith.select %gt3A_1236, %get3A_1235, %scan3A_1192 : vector<16xi1>, vector<16xf32>
      %broadcast_in_dim3A_1238 = vector.broadcast %add3A_1230 : i32 to vector<16xi32>
      %select_n3A_1239 = arith.select %gt3A_1236, %broadcast_in_dim3A_1238, %scan3A_1200 : vector<16xi1>, vector<16xi32>
      %add3A_1240 = arith.constant 3 : i32
      %add3A_1241 = arith.addi %mul3A_1207, %add3A_1240 : i32
      %mul3A_1242 = arith.constant 16 : i32
      %mul3A_1243 = arith.muli %add3A_1241, %mul3A_1242 : i32
      %get3A_1244 = arith.index_cast %mul3A_1243 : i32 to index
      %get3A_1245 = tpu.vector_load %arg5[%get3A_1244] {strides = array<i32>} : memref<32768xf32, #tpu.memory_space<vmem>>, vector<16xf32>,
      %get3A_1246 = vector.shape_cast %get3A_1245 : vector<16xf32> to vector<16xf32>
      %gt3A_1247 = arith.cmpf ogt, %get3A_1246, %scan3A_1193 : vector<16xf32>
      %select_n3A_1248 = arith.select %gt3A_1247, %get3A_1246, %scan3A_1193 : vector<16xi1>, vector<16xf32>
      %broadcast_in_dim3A_1249 = vector.broadcast %add3A_1241 : i32 to vector<16xi32>
      %select_n3A_1250 = arith.select %gt3A_1247, %broadcast_in_dim3A_1249, %scan3A_1201 : vector<16xi1>, vector<16xi32>
      %add3A_1251 = arith.constant 4 : i32
      %add3A_1252 = arith.addi %mul3A_1207, %add3A_1251 : i32
      %mul3A_1253 = arith.constant 16 : i32
      %mul3A_1254 = arith.muli %add3A_1252, %mul3A_1253 : i32
      %get3A_1255 = arith.index_cast %mul3A_1254 : i32 to index
      %get3A_1256 = tpu.vector_load %arg5[%get3A_1255] {strides = array<i32>} : memref<32768xf32, #tpu.memory_space<vmem>>, vector<16xf32>,
      %get3A_1257 = vector.shape_cast %get3A_1256 : vector<16xf32> to vector<16xf32>
      %gt3A_1258 = arith.cmpf ogt, %get3A_1257, %scan3A_1194 : vector<16xf32>
      %select_n3A_1259 = arith.select %gt3A_1258, %get3A_1257, %scan3A_1194 : vector<16xi1>, vector<16xf32>
      %broadcast_in_dim3A_1260 = vector.broadcast %add3A_1252 : i32 to vector<16xi32>
      %select_n3A_1261 = arith.select %gt3A_1258, %broadcast_in_dim3A_1260, %scan3A_1202 : vector<16xi1>, vector<16xi32>
      %add3A_1262 = arith.constant 5 : i32
      %add3A_1263 = arith.addi %mul3A_1207, %add3A_1262 : i32
      %mul3A_1264 = arith.constant 16 : i32
      %mul3A_1265 = arith.muli %add3A_1263, %mul3A_1264 : i32
      %get3A_1266 = arith.index_cast %mul3A_1265 : i32 to index
      %get3A_1267 = tpu.vector_load %arg5[%get3A_1266] {strides = array<i32>} : memref<32768xf32, #tpu.memory_space<vmem>>, vector<16xf32>,
      %get3A_1268 = vector.shape_cast %get3A_1267 : vector<16xf32> to vector<16xf32>
      %gt3A_1269 = arith.cmpf ogt, %get3A_1268, %scan3A_1195 : vector<16xf32>
      %select_n3A_1270 = arith.select %gt3A_1269, %get3A_1268, %scan3A_1195 : vector<16xi1>, vector<16xf32>
      %broadcast_in_dim3A_1271 = vector.broadcast %add3A_1263 : i32 to vector<16xi32>
      %select_n3A_1272 = arith.select %gt3A_1269, %broadcast_in_dim3A_1271, %scan3A_1203 : vector<16xi1>, vector<16xi32>
      %add3A_1273 = arith.constant 6 : i32
      %add3A_1274 = arith.addi %mul3A_1207, %add3A_1273 : i32
      %mul3A_1275 = arith.constant 16 : i32
      %mul3A_1276 = arith.muli %add3A_1274, %mul3A_1275 : i32
      %get3A_1277 = arith.index_cast %mul3A_1276 : i32 to index
      %get3A_1278 = tpu.vector_load %arg5[%get3A_1277] {strides = array<i32>} : memref<32768xf32, #tpu.memory_space<vmem>>, vector<16xf32>,
      %get3A_1279 = vector.shape_cast %get3A_1278 : vector<16xf32> to vector<16xf32>
      %gt3A_1280 = arith.cmpf ogt, %get3A_1279, %scan3A_1196 : vector<16xf32>
      %select_n3A_1281 = arith.select %gt3A_1280, %get3A_1279, %scan3A_1196 : vector<16xi1>, vector<16xf32>
      %broadcast_in_dim3A_1282 = vector.broadcast %add3A_1274 : i32 to vector<16xi32>
      %select_n3A_1283 = arith.select %gt3A_1280, %broadcast_in_dim3A_1282, %scan3A_1204 : vector<16xi1>, vector<16xi32>
      %add3A_1284 = arith.constant 7 : i32
      %add3A_1285 = arith.addi %mul3A_1207, %add3A_1284 : i32
      %mul3A_1286 = arith.constant 16 : i32
      %mul3A_1287 = arith.muli %add3A_1285, %mul3A_1286 : i32
      %get3A_1288 = arith.index_cast %mul3A_1287 : i32 to index
      %get3A_1289 = tpu.vector_load %arg5[%get3A_1288] {strides = array<i32>} : memref<32768xf32, #tpu.memory_space<vmem>>, vector<16xf32>,
      %get3A_1290 = vector.shape_cast %get3A_1289 : vector<16xf32> to vector<16xf32>
      %gt3A_1291 = arith.cmpf ogt, %get3A_1290, %scan3A_1197 : vector<16xf32>
      %select_n3A_1292 = arith.select %gt3A_1291, %get3A_1290, %scan3A_1197 : vector<16xi1>, vector<16xf32>
      %broadcast_in_dim3A_1293 = vector.broadcast %add3A_1285 : i32 to vector<16xi32>
      %select_n3A_1294 = arith.select %gt3A_1291, %broadcast_in_dim3A_1293, %scan3A_1205 : vector<16xi1>, vector<16xi32>
      scf.yield %select_n3A_1215, %select_n3A_1226, %select_n3A_1237, %select_n3A_1248, %select_n3A_1259, %select_n3A_1270, %select_n3A_1281, %select_n3A_1292, %select_n3A_1217, %select_n3A_1228, %select_n3A_1239, %select_n3A_1250, %select_n3A_1261, %select_n3A_1272, %select_n3A_1283, %select_n3A_1294 : vector<16xf32>, vector<16xf32>, vector<16xf32>, vector<16xf32>, vector<16xf32>, vector<16xf32>, vector<16xf32>, vector<16xf32>, vector<16xi32>, vector<16xi32>, vector<16xi32>, vector<16xi32>, vector<16xi32>, vector<16xi32>, vector<16xi32>, vector<16xi32>
    }
    %scan3A_343 = arith.constant 256 : i32
    %mul3A_344 = arith.constant 16 : i32
    %mul3A_345 = vector.broadcast %mul3A_344 : i32 to vector<16xi32>
    %mul3A_346 = arith.muli %scan3A_342#8, %mul3A_345 : vector<16xi32>
    %add3A_347 = arith.addi %mul3A_346, %iota3A : vector<16xi32>
    %mul3A_348 = arith.constant 16 : i32
    %mul3A_349 = vector.broadcast %mul3A_348 : i32 to vector<16xi32>
    %mul3A_350 = arith.muli %scan3A_342#9, %mul3A_349 : vector<16xi32>
    %add3A_351 = arith.addi %mul3A_350, %iota3A : vector<16xi32>
    %mul3A_352 = arith.constant 16 : i32
    %mul3A_353 = vector.broadcast %mul3A_352 : i32 to vector<16xi32>
    %mul3A_354 = arith.muli %scan3A_342#10, %mul3A_353 : vector<16xi32>
    %add3A_355 = arith.addi %mul3A_354, %iota3A : vector<16xi32>
    %mul3A_356 = arith.constant 16 : i32
    %mul3A_357 = vector.broadcast %mul3A_356 : i32 to vector<16xi32>
    %mul3A_358 = arith.muli %scan3A_342#11, %mul3A_357 : vector<16xi32>
    %add3A_359 = arith.addi %mul3A_358, %iota3A : vector<16xi32>
    %mul3A_360 = arith.constant 16 : i32
    %mul3A_361 = vector.broadcast %mul3A_360 : i32 to vector<16xi32>
    %mul3A_362 = arith.muli %scan3A_342#12, %mul3A_361 : vector<16xi32>
    %add3A_363 = arith.addi %mul3A_362, %iota3A : vector<16xi32>
    %mul3A_364 = arith.constant 16 : i32
    %mul3A_365 = vector.broadcast %mul3A_364 : i32 to vector<16xi32>
    %mul3A_366 = arith.muli %scan3A_342#13, %mul3A_365 : vector<16xi32>
    %add3A_367 = arith.addi %mul3A_366, %iota3A : vector<16xi32>
    %mul3A_368 = arith.constant 16 : i32
    %mul3A_369 = vector.broadcast %mul3A_368 : i32 to vector<16xi32>
    %mul3A_370 = arith.muli %scan3A_342#14, %mul3A_369 : vector<16xi32>
    %add3A_371 = arith.addi %mul3A_370, %iota3A : vector<16xi32>
    %mul3A_372 = arith.constant 16 : i32
    %mul3A_373 = vector.broadcast %mul3A_372 : i32 to vector<16xi32>
    %mul3A_374 = arith.muli %scan3A_342#15, %mul3A_373 : vector<16xi32>
    %add3A_375 = arith.addi %mul3A_374, %iota3A : vector<16xi32>
    %gt3A_376 = arith.cmpf ogt, %scan3A_342#1, %scan3A_342#0 : vector<16xf32>
    %eq3A_377 = arith.cmpf oeq, %scan3A_342#1, %scan3A_342#0 : vector<16xf32>
    %lt3A_378 = arith.cmpi slt, %add3A_351, %add3A_347 : vector<16xi32>
    %and3A_379 = arith.andi %eq3A_377, %lt3A_378 : vector<16xi1>
    %or3A_380 = arith.ori %gt3A_376, %and3A_379 : vector<16xi1>
    %select_n3A_381 = arith.select %or3A_380, %scan3A_342#1, %scan3A_342#0 : vector<16xi1>, vector<16xf32>
    %select_n3A_382 = arith.select %or3A_380, %add3A_351, %add3A_347 : vector<16xi1>, vector<16xi32>
    %gt3A_383 = arith.cmpf ogt, %scan3A_342#3, %scan3A_342#2 : vector<16xf32>
    %eq3A_384 = arith.cmpf oeq, %scan3A_342#3, %scan3A_342#2 : vector<16xf32>
    %lt3A_385 = arith.cmpi slt, %add3A_359, %add3A_355 : vector<16xi32>
    %and3A_386 = arith.andi %eq3A_384, %lt3A_385 : vector<16xi1>
    %or3A_387 = arith.ori %gt3A_383, %and3A_386 : vector<16xi1>
    %select_n3A_388 = arith.select %or3A_387, %scan3A_342#3, %scan3A_342#2 : vector<16xi1>, vector<16xf32>
    %select_n3A_389 = arith.select %or3A_387, %add3A_359, %add3A_355 : vector<16xi1>, vector<16xi32>
    %gt3A_390 = arith.cmpf ogt, %scan3A_342#5, %scan3A_342#4 : vector<16xf32>
    %eq3A_391 = arith.cmpf oeq, %scan3A_342#5, %scan3A_342#4 : vector<16xf32>
    %lt3A_392 = arith.cmpi slt, %add3A_367, %add3A_363 : vector<16xi32>
    %and3A_393 = arith.andi %eq3A_391, %lt3A_392 : vector<16xi1>
    %or3A_394 = arith.ori %gt3A_390, %and3A_393 : vector<16xi1>
    %select_n3A_395 = arith.select %or3A_394, %scan3A_342#5, %scan3A_342#4 : vector<16xi1>, vector<16xf32>
    %select_n3A_396 = arith.select %or3A_394, %add3A_367, %add3A_363 : vector<16xi1>, vector<16xi32>
    %gt3A_397 = arith.cmpf ogt, %scan3A_342#7, %scan3A_342#6 : vector<16xf32>
    %eq3A_398 = arith.cmpf oeq, %scan3A_342#7, %scan3A_342#6 : vector<16xf32>
    %lt3A_399 = arith.cmpi slt, %add3A_375, %add3A_371 : vector<16xi32>
    %and3A_400 = arith.andi %eq3A_398, %lt3A_399 : vector<16xi1>
    %or3A_401 = arith.ori %gt3A_397, %and3A_400 : vector<16xi1>
    %select_n3A_402 = arith.select %or3A_401, %scan3A_342#7, %scan3A_342#6 : vector<16xi1>, vector<16xf32>
    %select_n3A_403 = arith.select %or3A_401, %add3A_375, %add3A_371 : vector<16xi1>, vector<16xi32>
    %gt3A_404 = arith.cmpf ogt, %select_n3A_388, %select_n3A_381 : vector<16xf32>
    %eq3A_405 = arith.cmpf oeq, %select_n3A_388, %select_n3A_381 : vector<16xf32>
    %lt3A_406 = arith.cmpi slt, %select_n3A_389, %select_n3A_382 : vector<16xi32>
    %and3A_407 = arith.andi %eq3A_405, %lt3A_406 : vector<16xi1>
    %or3A_408 = arith.ori %gt3A_404, %and3A_407 : vector<16xi1>
    %select_n3A_409 = arith.select %or3A_408, %select_n3A_388, %select_n3A_381 : vector<16xi1>, vector<16xf32>
    %select_n3A_410 = arith.select %or3A_408, %select_n3A_389, %select_n3A_382 : vector<16xi1>, vector<16xi32>
    %gt3A_411 = arith.cmpf ogt, %select_n3A_402, %select_n3A_395 : vector<16xf32>
    %eq3A_412 = arith.cmpf oeq, %select_n3A_402, %select_n3A_395 : vector<16xf32>
    %lt3A_413 = arith.cmpi slt, %select_n3A_403, %select_n3A_396 : vector<16xi32>
    %and3A_414 = arith.andi %eq3A_412, %lt3A_413 : vector<16xi1>
    %or3A_415 = arith.ori %gt3A_411, %and3A_414 : vector<16xi1>
    %select_n3A_416 = arith.select %or3A_415, %select_n3A_402, %select_n3A_395 : vector<16xi1>, vector<16xf32>
    %select_n3A_417 = arith.select %or3A_415, %select_n3A_403, %select_n3A_396 : vector<16xi1>, vector<16xi32>
    %gt3A_418 = arith.cmpf ogt, %select_n3A_416, %select_n3A_409 : vector<16xf32>
    %eq3A_419 = arith.cmpf oeq, %select_n3A_416, %select_n3A_409 : vector<16xf32>
    %lt3A_420 = arith.cmpi slt, %select_n3A_417, %select_n3A_410 : vector<16xi32>
    %and3A_421 = arith.andi %eq3A_419, %lt3A_420 : vector<16xi1>
    %or3A_422 = arith.ori %gt3A_418, %and3A_421 : vector<16xi1>
    %select_n3A_423 = arith.select %or3A_422, %select_n3A_416, %select_n3A_409 : vector<16xi1>, vector<16xf32>
    %select_n3A_424 = arith.select %or3A_422, %select_n3A_417, %select_n3A_410 : vector<16xi1>, vector<16xi32>
    %add3A_425 = arith.constant 8 : i32
    %add3A_426 = vector.broadcast %add3A_425 : i32 to vector<16xi32>
    %add3A_427 = arith.addi %iota3A, %add3A_426 : vector<16xi32>
    %and3A_428 = arith.constant 15 : i32
    %and3A_429 = vector.broadcast %and3A_428 : i32 to vector<16xi32>
    %and3A_430 = arith.andi %add3A_427, %and3A_429 : vector<16xi32>
    %lt3A_431 = arith.constant 0 : i32
    %lt3A_432 = vector.broadcast %lt3A_431 : i32 to vector<16xi32>
    %lt3A_433 = arith.cmpi slt, %and3A_430, %lt3A_432 : vector<16xi32>
    %add3A_434 = arith.constant 16 : i32
    %add3A_435 = vector.broadcast %add3A_434 : i32 to vector<16xi32>
    %add3A_436 = arith.addi %and3A_430, %add3A_435 : vector<16xi32>
    %select_n3A_437 = arith.select %lt3A_433, %add3A_436, %and3A_430 : vector<16xi1>, vector<16xi32>
    %broadcast_in_dim3A_438 = vector.shape_cast %select_n3A_437 : vector<16xi32> to vector<16x1xi32>
    %gather3A_439 = vector.shape_cast %broadcast_in_dim3A_438 : vector<16x1xi32> to vector<16xi32>
    %gather3A_440 = tpu.dynamic_gather %select_n3A_423[%gather3A_439] in [0] : vector<16xf32>, vector<16xi32> -> vector<16xf32>
    %lt3A_441 = arith.constant 0 : i32
    %lt3A_442 = vector.broadcast %lt3A_441 : i32 to vector<16xi32>
    %lt3A_443 = arith.cmpi slt, %and3A_430, %lt3A_442 : vector<16xi32>
    %add3A_444 = arith.constant 16 : i32
    %add3A_445 = vector.broadcast %add3A_444 : i32 to vector<16xi32>
    %add3A_446 = arith.addi %and3A_430, %add3A_445 : vector<16xi32>
    %select_n3A_447 = arith.select %lt3A_443, %add3A_446, %and3A_430 : vector<16xi1>, vector<16xi32>
    %broadcast_in_dim3A_448 = vector.shape_cast %select_n3A_447 : vector<16xi32> to vector<16x1xi32>
    %gather3A_449 = vector.shape_cast %broadcast_in_dim3A_448 : vector<16x1xi32> to vector<16xi32>
    %gather3A_450 = tpu.dynamic_gather %select_n3A_424[%gather3A_449] in [0] : vector<16xi32>, vector<16xi32> -> vector<16xi32>
    %gt3A_451 = arith.cmpf ogt, %gather3A_440, %select_n3A_423 : vector<16xf32>
    %eq3A_452 = arith.cmpf oeq, %gather3A_440, %select_n3A_423 : vector<16xf32>
    %lt3A_453 = arith.cmpi slt, %gather3A_450, %select_n3A_424 : vector<16xi32>
    %and3A_454 = arith.andi %eq3A_452, %lt3A_453 : vector<16xi1>
    %or3A_455 = arith.ori %gt3A_451, %and3A_454 : vector<16xi1>
    %select_n3A_456 = arith.select %or3A_455, %gather3A_440, %select_n3A_423 : vector<16xi1>, vector<16xf32>
    %select_n3A_457 = arith.select %or3A_455, %gather3A_450, %select_n3A_424 : vector<16xi1>, vector<16xi32>
    %add3A_458 = arith.constant 4 : i32
    %add3A_459 = vector.broadcast %add3A_458 : i32 to vector<16xi32>
    %add3A_460 = arith.addi %iota3A, %add3A_459 : vector<16xi32>
    %and3A_461 = arith.constant 15 : i32
    %and3A_462 = vector.broadcast %and3A_461 : i32 to vector<16xi32>
    %and3A_463 = arith.andi %add3A_460, %and3A_462 : vector<16xi32>
    %lt3A_464 = arith.constant 0 : i32
    %lt3A_465 = vector.broadcast %lt3A_464 : i32 to vector<16xi32>
    %lt3A_466 = arith.cmpi slt, %and3A_463, %lt3A_465 : vector<16xi32>
    %add3A_467 = arith.constant 16 : i32
    %add3A_468 = vector.broadcast %add3A_467 : i32 to vector<16xi32>
    %add3A_469 = arith.addi %and3A_463, %add3A_468 : vector<16xi32>
    %select_n3A_470 = arith.select %lt3A_466, %add3A_469, %and3A_463 : vector<16xi1>, vector<16xi32>
    %broadcast_in_dim3A_471 = vector.shape_cast %select_n3A_470 : vector<16xi32> to vector<16x1xi32>
    %gather3A_472 = vector.shape_cast %broadcast_in_dim3A_471 : vector<16x1xi32> to vector<16xi32>
    %gather3A_473 = tpu.dynamic_gather %select_n3A_456[%gather3A_472] in [0] : vector<16xf32>, vector<16xi32> -> vector<16xf32>
    %lt3A_474 = arith.constant 0 : i32
    %lt3A_475 = vector.broadcast %lt3A_474 : i32 to vector<16xi32>
    %lt3A_476 = arith.cmpi slt, %and3A_463, %lt3A_475 : vector<16xi32>
    %add3A_477 = arith.constant 16 : i32
    %add3A_478 = vector.broadcast %add3A_477 : i32 to vector<16xi32>
    %add3A_479 = arith.addi %and3A_463, %add3A_478 : vector<16xi32>
    %select_n3A_480 = arith.select %lt3A_476, %add3A_479, %and3A_463 : vector<16xi1>, vector<16xi32>
    %broadcast_in_dim3A_481 = vector.shape_cast %select_n3A_480 : vector<16xi32> to vector<16x1xi32>
    %gather3A_482 = vector.shape_cast %broadcast_in_dim3A_481 : vector<16x1xi32> to vector<16xi32>
    %gather3A_483 = tpu.dynamic_gather %select_n3A_457[%gather3A_482] in [0] : vector<16xi32>, vector<16xi32> -> vector<16xi32>
    %gt3A_484 = arith.cmpf ogt, %gather3A_473, %select_n3A_456 : vector<16xf32>
    %eq3A_485 = arith.cmpf oeq, %gather3A_473, %select_n3A_456 : vector<16xf32>
    %lt3A_486 = arith.cmpi slt, %gather3A_483, %select_n3A_457 : vector<16xi32>
    %and3A_487 = arith.andi %eq3A_485, %lt3A_486 : vector<16xi1>
    %or3A_488 = arith.ori %gt3A_484, %and3A_487 : vector<16xi1>
    %select_n3A_489 = arith.select %or3A_488, %gather3A_473, %select_n3A_456 : vector<16xi1>, vector<16xf32>
    %select_n3A_490 = arith.select %or3A_488, %gather3A_483, %select_n3A_457 : vector<16xi1>, vector<16xi32>
    %add3A_491 = arith.constant 2 : i32
    %add3A_492 = vector.broadcast %add3A_491 : i32 to vector<16xi32>
    %add3A_493 = arith.addi %iota3A, %add3A_492 : vector<16xi32>
    %and3A_494 = arith.constant 15 : i32
    %and3A_495 = vector.broadcast %and3A_494 : i32 to vector<16xi32>
    %and3A_496 = arith.andi %add3A_493, %and3A_495 : vector<16xi32>
    %lt3A_497 = arith.constant 0 : i32
    %lt3A_498 = vector.broadcast %lt3A_497 : i32 to vector<16xi32>
    %lt3A_499 = arith.cmpi slt, %and3A_496, %lt3A_498 : vector<16xi32>
    %add3A_500 = arith.constant 16 : i32
    %add3A_501 = vector.broadcast %add3A_500 : i32 to vector<16xi32>
    %add3A_502 = arith.addi %and3A_496, %add3A_501 : vector<16xi32>
    %select_n3A_503 = arith.select %lt3A_499, %add3A_502, %and3A_496 : vector<16xi1>, vector<16xi32>
    %broadcast_in_dim3A_504 = vector.shape_cast %select_n3A_503 : vector<16xi32> to vector<16x1xi32>
    %gather3A_505 = vector.shape_cast %broadcast_in_dim3A_504 : vector<16x1xi32> to vector<16xi32>
    %gather3A_506 = tpu.dynamic_gather %select_n3A_489[%gather3A_505] in [0] : vector<16xf32>, vector<16xi32> -> vector<16xf32>
    %lt3A_507 = arith.constant 0 : i32
    %lt3A_508 = vector.broadcast %lt3A_507 : i32 to vector<16xi32>
    %lt3A_509 = arith.cmpi slt, %and3A_496, %lt3A_508 : vector<16xi32>
    %add3A_510 = arith.constant 16 : i32
    %add3A_511 = vector.broadcast %add3A_510 : i32 to vector<16xi32>
    %add3A_512 = arith.addi %and3A_496, %add3A_511 : vector<16xi32>
    %select_n3A_513 = arith.select %lt3A_509, %add3A_512, %and3A_496 : vector<16xi1>, vector<16xi32>
    %broadcast_in_dim3A_514 = vector.shape_cast %select_n3A_513 : vector<16xi32> to vector<16x1xi32>
    %gather3A_515 = vector.shape_cast %broadcast_in_dim3A_514 : vector<16x1xi32> to vector<16xi32>
    %gather3A_516 = tpu.dynamic_gather %select_n3A_490[%gather3A_515] in [0] : vector<16xi32>, vector<16xi32> -> vector<16xi32>
    %gt3A_517 = arith.cmpf ogt, %gather3A_506, %select_n3A_489 : vector<16xf32>
    %eq3A_518 = arith.cmpf oeq, %gather3A_506, %select_n3A_489 : vector<16xf32>
    %lt3A_519 = arith.cmpi slt, %gather3A_516, %select_n3A_490 : vector<16xi32>
    %and3A_520 = arith.andi %eq3A_518, %lt3A_519 : vector<16xi1>
    %or3A_521 = arith.ori %gt3A_517, %and3A_520 : vector<16xi1>
    %select_n3A_522 = arith.select %or3A_521, %gather3A_506, %select_n3A_489 : vector<16xi1>, vector<16xf32>
    %select_n3A_523 = arith.select %or3A_521, %gather3A_516, %select_n3A_490 : vector<16xi1>, vector<16xi32>
    %add3A_524 = arith.constant 1 : i32
    %add3A_525 = vector.broadcast %add3A_524 : i32 to vector<16xi32>
    %add3A_526 = arith.addi %iota3A, %add3A_525 : vector<16xi32>
    %and3A_527 = arith.constant 15 : i32
    %and3A_528 = vector.broadcast %and3A_527 : i32 to vector<16xi32>
    %and3A_529 = arith.andi %add3A_526, %and3A_528 : vector<16xi32>
    %lt3A_530 = arith.constant 0 : i32
    %lt3A_531 = vector.broadcast %lt3A_530 : i32 to vector<16xi32>
    %lt3A_532 = arith.cmpi slt, %and3A_529, %lt3A_531 : vector<16xi32>
    %add3A_533 = arith.constant 16 : i32
    %add3A_534 = vector.broadcast %add3A_533 : i32 to vector<16xi32>
    %add3A_535 = arith.addi %and3A_529, %add3A_534 : vector<16xi32>
    %select_n3A_536 = arith.select %lt3A_532, %add3A_535, %and3A_529 : vector<16xi1>, vector<16xi32>
    %broadcast_in_dim3A_537 = vector.shape_cast %select_n3A_536 : vector<16xi32> to vector<16x1xi32>
    %gather3A_538 = vector.shape_cast %broadcast_in_dim3A_537 : vector<16x1xi32> to vector<16xi32>
    %gather3A_539 = tpu.dynamic_gather %select_n3A_522[%gather3A_538] in [0] : vector<16xf32>, vector<16xi32> -> vector<16xf32>
    %lt3A_540 = arith.constant 0 : i32
    %lt3A_541 = vector.broadcast %lt3A_540 : i32 to vector<16xi32>
    %lt3A_542 = arith.cmpi slt, %and3A_529, %lt3A_541 : vector<16xi32>
    %add3A_543 = arith.constant 16 : i32
    %add3A_544 = vector.broadcast %add3A_543 : i32 to vector<16xi32>
    %add3A_545 = arith.addi %and3A_529, %add3A_544 : vector<16xi32>
    %select_n3A_546 = arith.select %lt3A_542, %add3A_545, %and3A_529 : vector<16xi1>, vector<16xi32>
    %broadcast_in_dim3A_547 = vector.shape_cast %select_n3A_546 : vector<16xi32> to vector<16x1xi32>
    %gather3A_548 = vector.shape_cast %broadcast_in_dim3A_547 : vector<16x1xi32> to vector<16xi32>
    %gather3A_549 = tpu.dynamic_gather %select_n3A_523[%gather3A_548] in [0] : vector<16xi32>, vector<16xi32> -> vector<16xi32>
    %gt3A_550 = arith.cmpf ogt, %gather3A_539, %select_n3A_522 : vector<16xf32>
    %eq3A_551 = arith.cmpf oeq, %gather3A_539, %select_n3A_522 : vector<16xf32>
    %lt3A_552 = arith.cmpi slt, %gather3A_549, %select_n3A_523 : vector<16xi32>
    %and3A_553 = arith.andi %eq3A_551, %lt3A_552 : vector<16xi1>
    %or3A_554 = arith.ori %gt3A_550, %and3A_553 : vector<16xi1>
    %select_n3A_555 = arith.select %or3A_554, %gather3A_539, %select_n3A_522 : vector<16xi1>, vector<16xf32>
    %select_n3A_556 = arith.select %or3A_554, %gather3A_549, %select_n3A_523 : vector<16xi1>, vector<16xi32>
    %add3A_557 = arith.constant 1 : i32
    %add3A_558 = arith.addi %mul3A_2, %add3A_557 : i32
    %add3A_559 = arith.constant 2 : i32
    %add3A_560 = arith.addi %add3A_558, %add3A_559 : i32
    %dma_start3A_561 = arith.constant 0 : i32
    %dma_start3A_562 = tpu.memref_slice %arg2[%add3A_560, %dma_start3A_561] : memref<128x32768xf32, #tpu.memory_space<hbm>> -> memref<1x32768xf32, #tpu.memory_space<hbm>>
    %dma_start3A_563 = tpu.memref_squeeze %dma_start3A_562 : memref<1x32768xf32, #tpu.memory_space<hbm>> -> memref<32768xf32, #tpu.memory_space<hbm>>
    %dma_start3A_564 = arith.constant 0 : i32
    %dma_start3A_565 = tpu.memref_slice %arg2[%add3A_560, %dma_start3A_564] : memref<128x32768xf32, #tpu.memory_space<hbm>> -> memref<1x32768xf32, #tpu.memory_space<hbm>>
    %dma_start3A_566 = tpu.memref_squeeze %dma_start3A_565 : memref<1x32768xf32, #tpu.memory_space<hbm>> -> memref<32768xf32, #tpu.memory_space<hbm>>
    tpu.enqueue_dma source(%dma_start3A_566 : memref<32768xf32, #tpu.memory_space<hbm>>) target(%arg5 : memref<32768xf32, #tpu.memory_space<vmem>>) target_semaphore(%arg8 : memref<!tpu.dma_semaphore, #tpu.memory_space<semaphore_mem>>)
    %slice3A_567 = vector.extract_strided_slice %select_n3A_556 {offsets = [0], sizes = [1], strides = [1]} : vector<16xi32> to vector<1xi32>
    %squeeze3A_568 = vector.extract %slice3A_567[0] : i32 from vector<1xi32>
    %and3A_569 = arith.constant -16 : i32
    %and3A_570 = arith.andi %squeeze3A_568, %and3A_569 : i32
    %sub3A_571 = arith.subi %squeeze3A_568, %and3A_570 : i32
    %eq3A_572 = vector.broadcast %sub3A_571 : i32 to vector<16xi32>
    %eq3A_573 = arith.cmpi eq, %iota3A, %eq3A_572 : vector<16xi32>
    %jit3A_574 = arith.constant 1.000000e+00 : f32
    %jit3A_575 = arith.constant 0.000000e+00 : f32
    %broadcast_in_dim3A_576 = vector.broadcast %jit3A_574 : f32 to vector<16xf32>
    %broadcast_in_dim3A_577 = vector.broadcast %jit3A_575 : f32 to vector<16xf32>
    %select_n3A_578 = arith.select %eq3A_573, %broadcast_in_dim3A_576, %broadcast_in_dim3A_577 : vector<16xi1>, vector<16xf32>
    %dma_wait3A_579 = arith.constant 0 : i32
    %dma_wait3A_580 = tpu.memref_slice %arg3[%add3A_293, %dma_wait3A_579] : memref<128x32768xf32, #tpu.memory_space<hbm>> -> memref<1x32768xf32, #tpu.memory_space<hbm>>
    %dma_wait3A_581 = tpu.memref_squeeze %dma_wait3A_580 : memref<1x32768xf32, #tpu.memory_space<hbm>> -> memref<32768xf32, #tpu.memory_space<hbm>>
    %dma_wait3A_582 = arith.constant 0 : i32
    %dma_wait3A_583 = tpu.memref_slice %arg3[%add3A_293, %dma_wait3A_582] : memref<128x32768xf32, #tpu.memory_space<hbm>> -> memref<1x32768xf32, #tpu.memory_space<hbm>>
    %dma_wait3A_584 = tpu.memref_squeeze %dma_wait3A_583 : memref<1x32768xf32, #tpu.memory_space<hbm>> -> memref<32768xf32, #tpu.memory_space<hbm>>
    tpu.wait_dma2 semaphore(%arg9 : memref<!tpu.dma_semaphore, #tpu.memory_space<semaphore_mem>>) src(%arg6 : memref<32768xf32, #tpu.memory_space<vmem>>) dst(%dma_wait3A_584 : memref<32768xf32, #tpu.memory_space<hbm>>)
    %swap3A_585 = arith.index_cast %and3A_282 : i32 to index
    %swap3A_586 = tpu.vector_load %arg6[%swap3A_585] {strides = array<i32>} : memref<32768xf32, #tpu.memory_space<vmem>>, vector<16xf32>,
    %swap3A_587 = vector.shape_cast %swap3A_586 : vector<16xf32> to vector<16xf32>
    %swap3A_588 = vector.shape_cast %broadcast_in_dim3A_3 : vector<16xf32> to vector<16xf32>
    tpu.vector_store %arg6[%swap3A_585], %swap3A_588 {strides = array<i32>} : memref<32768xf32, #tpu.memory_space<vmem>>, vector<16xf32>,
    %swap3A_589 = arith.index_cast %and3A_570 : i32 to index
    %swap3A_590 = tpu.vector_load %arg6[%swap3A_589] {strides = array<i32>} : memref<32768xf32, #tpu.memory_space<vmem>>, vector<16xf32>,
    %swap3A_591 = vector.shape_cast %swap3A_590 : vector<16xf32> to vector<16xf32>
    %swap3A_592 = vector.shape_cast %select_n3A_578 : vector<16xf32> to vector<16xf32>
    tpu.vector_store %arg6[%swap3A_589], %swap3A_592 {strides = array<i32>} : memref<32768xf32, #tpu.memory_space<vmem>>, vector<16xf32>,
    %add3A_593 = arith.constant 1 : i32
    %add3A_594 = arith.addi %mul3A_2, %add3A_593 : i32
    %dma_start3A_595 = arith.constant 0 : i32
    %dma_start3A_596 = tpu.memref_slice %arg3[%add3A_594, %dma_start3A_595] : memref<128x32768xf32, #tpu.memory_space<hbm>> -> memref<1x32768xf32, #tpu.memory_space<hbm>>
    %dma_start3A_597 = tpu.memref_squeeze %dma_start3A_596 : memref<1x32768xf32, #tpu.memory_space<hbm>> -> memref<32768xf32, #tpu.memory_space<hbm>>
    %dma_start3A_598 = arith.constant 0 : i32
    %dma_start3A_599 = tpu.memref_slice %arg3[%add3A_594, %dma_start3A_598] : memref<128x32768xf32, #tpu.memory_space<hbm>> -> memref<1x32768xf32, #tpu.memory_space<hbm>>
    %dma_start3A_600 = tpu.memref_squeeze %dma_start3A_599 : memref<1x32768xf32, #tpu.memory_space<hbm>> -> memref<32768xf32, #tpu.memory_space<hbm>>
    tpu.enqueue_dma source(%arg6 : memref<32768xf32, #tpu.memory_space<vmem>>) target(%dma_start3A_600 : memref<32768xf32, #tpu.memory_space<hbm>>) target_semaphore(%arg9 : memref<!tpu.dma_semaphore, #tpu.memory_space<semaphore_mem>>)
    %dma_wait3A_601 = arith.constant 0 : i32
    %dma_wait3A_602 = tpu.memref_slice %arg2[%add3A_274, %dma_wait3A_601] : memref<128x32768xf32, #tpu.memory_space<hbm>> -> memref<1x32768xf32, #tpu.memory_space<hbm>>
    %dma_wait3A_603 = tpu.memref_squeeze %dma_wait3A_602 : memref<1x32768xf32, #tpu.memory_space<hbm>> -> memref<32768xf32, #tpu.memory_space<hbm>>
    %dma_wait3A_604 = arith.constant 0 : i32
    %dma_wait3A_605 = tpu.memref_slice %arg2[%add3A_274, %dma_wait3A_604] : memref<128x32768xf32, #tpu.memory_space<hbm>> -> memref<1x32768xf32, #tpu.memory_space<hbm>>
    %dma_wait3A_606 = tpu.memref_squeeze %dma_wait3A_605 : memref<1x32768xf32, #tpu.memory_space<hbm>> -> memref<32768xf32, #tpu.memory_space<hbm>>
    tpu.wait_dma2 semaphore(%arg7 : memref<!tpu.dma_semaphore, #tpu.memory_space<semaphore_mem>>) src(%dma_wait3A_606 : memref<32768xf32, #tpu.memory_space<hbm>>) dst(%arg4 : memref<32768xf32, #tpu.memory_space<vmem>>)
    %broadcast_in_dim3A_607 = arith.constant 0xFF800000 : f32
    %broadcast_in_dim3A_608 = vector.broadcast %broadcast_in_dim3A_607 : f32 to vector<16xf32>
    %broadcast_in_dim3A_609 = arith.constant 0xFF800000 : f32
    %broadcast_in_dim3A_610 = vector.broadcast %broadcast_in_dim3A_609 : f32 to vector<16xf32>
    %broadcast_in_dim3A_611 = arith.constant 0xFF800000 : f32
    %broadcast_in_dim3A_612 = vector.broadcast %broadcast_in_dim3A_611 : f32 to vector<16xf32>
    %broadcast_in_dim3A_613 = arith.constant 0xFF800000 : f32
    %broadcast_in_dim3A_614 = vector.broadcast %broadcast_in_dim3A_613 : f32 to vector<16xf32>
    %broadcast_in_dim3A_615 = arith.constant 0xFF800000 : f32
    %broadcast_in_dim3A_616 = vector.broadcast %broadcast_in_dim3A_615 : f32 to vector<16xf32>
    %broadcast_in_dim3A_617 = arith.constant 0xFF800000 : f32
    %broadcast_in_dim3A_618 = vector.broadcast %broadcast_in_dim3A_617 : f32 to vector<16xf32>
    %broadcast_in_dim3A_619 = arith.constant 0xFF800000 : f32
    %broadcast_in_dim3A_620 = vector.broadcast %broadcast_in_dim3A_619 : f32 to vector<16xf32>
    %broadcast_in_dim3A_621 = arith.constant 0xFF800000 : f32
    %broadcast_in_dim3A_622 = vector.broadcast %broadcast_in_dim3A_621 : f32 to vector<16xf32>
    %broadcast_in_dim3A_623 = arith.constant 0 : i32
    %broadcast_in_dim3A_624 = vector.broadcast %broadcast_in_dim3A_623 : i32 to vector<16xi32>
    %broadcast_in_dim3A_625 = arith.constant 0 : i32
    %broadcast_in_dim3A_626 = vector.broadcast %broadcast_in_dim3A_625 : i32 to vector<16xi32>
    %broadcast_in_dim3A_627 = arith.constant 0 : i32
    %broadcast_in_dim3A_628 = vector.broadcast %broadcast_in_dim3A_627 : i32 to vector<16xi32>
    %broadcast_in_dim3A_629 = arith.constant 0 : i32
    %broadcast_in_dim3A_630 = vector.broadcast %broadcast_in_dim3A_629 : i32 to vector<16xi32>
    %broadcast_in_dim3A_631 = arith.constant 0 : i32
    %broadcast_in_dim3A_632 = vector.broadcast %broadcast_in_dim3A_631 : i32 to vector<16xi32>
    %broadcast_in_dim3A_633 = arith.constant 0 : i32
    %broadcast_in_dim3A_634 = vector.broadcast %broadcast_in_dim3A_633 : i32 to vector<16xi32>
    %broadcast_in_dim3A_635 = arith.constant 0 : i32
    %broadcast_in_dim3A_636 = vector.broadcast %broadcast_in_dim3A_635 : i32 to vector<16xi32>
    %broadcast_in_dim3A_637 = arith.constant 0 : i32
    %broadcast_in_dim3A_638 = vector.broadcast %broadcast_in_dim3A_637 : i32 to vector<16xi32>
    %scan3A_639 = arith.constant 0 : i32
    %scan3A_640 = arith.constant 256 : i32
    %scan3A_641 = arith.addi %scan3A_639, %scan3A_640 : i32
    %scan3A_642 = arith.constant 1 : i32
    %scan3A_643:16 = scf.for %scan3A_1189 = %scan3A_639 to %scan3A_641 step %scan3A_642 iter_args(%scan3A_1190 = %broadcast_in_dim3A_608, %scan3A_1191 = %broadcast_in_dim3A_610, %scan3A_1192 = %broadcast_in_dim3A_612, %scan3A_1193 = %broadcast_in_dim3A_614, %scan3A_1194 = %broadcast_in_dim3A_616, %scan3A_1195 = %broadcast_in_dim3A_618, %scan3A_1196 = %broadcast_in_dim3A_620, %scan3A_1197 = %broadcast_in_dim3A_622, %scan3A_1198 = %broadcast_in_dim3A_624, %scan3A_1199 = %broadcast_in_dim3A_626, %scan3A_1200 = %broadcast_in_dim3A_628, %scan3A_1201 = %broadcast_in_dim3A_630, %scan3A_1202 = %broadcast_in_dim3A_632, %scan3A_1203 = %broadcast_in_dim3A_634, %scan3A_1204 = %broadcast_in_dim3A_636, %scan3A_1205 = %broadcast_in_dim3A_638) -> (vector<16xf32>, vector<16xf32>, vector<16xf32>, vector<16xf32>, vector<16xf32>, vector<16xf32>, vector<16xf32>, vector<16xf32>, vector<16xi32>, vector<16xi32>, vector<16xi32>, vector<16xi32>, vector<16xi32>, vector<16xi32>, vector<16xi32>, vector<16xi32>)  : i32 {
      %mul3A_1206 = arith.constant 8 : i32
      %mul3A_1207 = arith.muli %scan3A_1189, %mul3A_1206 : i32
      %add3A_1208 = arith.constant 0 : i32
      %add3A_1209 = arith.addi %mul3A_1207, %add3A_1208 : i32
      %mul3A_1210 = arith.constant 16 : i32
      %mul3A_1211 = arith.muli %add3A_1209, %mul3A_1210 : i32
      %get3A = arith.index_cast %mul3A_1211 : i32 to index
      %get3A_1212 = tpu.vector_load %arg4[%get3A] {strides = array<i32>} : memref<32768xf32, #tpu.memory_space<vmem>>, vector<16xf32>,
      %get3A_1213 = vector.shape_cast %get3A_1212 : vector<16xf32> to vector<16xf32>
      %gt3A_1214 = arith.cmpf ogt, %get3A_1213, %scan3A_1190 : vector<16xf32>
      %select_n3A_1215 = arith.select %gt3A_1214, %get3A_1213, %scan3A_1190 : vector<16xi1>, vector<16xf32>
      %broadcast_in_dim3A_1216 = vector.broadcast %add3A_1209 : i32 to vector<16xi32>
      %select_n3A_1217 = arith.select %gt3A_1214, %broadcast_in_dim3A_1216, %scan3A_1198 : vector<16xi1>, vector<16xi32>
      %add3A_1218 = arith.constant 1 : i32
      %add3A_1219 = arith.addi %mul3A_1207, %add3A_1218 : i32
      %mul3A_1220 = arith.constant 16 : i32
      %mul3A_1221 = arith.muli %add3A_1219, %mul3A_1220 : i32
      %get3A_1222 = arith.index_cast %mul3A_1221 : i32 to index
      %get3A_1223 = tpu.vector_load %arg4[%get3A_1222] {strides = array<i32>} : memref<32768xf32, #tpu.memory_space<vmem>>, vector<16xf32>,
      %get3A_1224 = vector.shape_cast %get3A_1223 : vector<16xf32> to vector<16xf32>
      %gt3A_1225 = arith.cmpf ogt, %get3A_1224, %scan3A_1191 : vector<16xf32>
      %select_n3A_1226 = arith.select %gt3A_1225, %get3A_1224, %scan3A_1191 : vector<16xi1>, vector<16xf32>
      %broadcast_in_dim3A_1227 = vector.broadcast %add3A_1219 : i32 to vector<16xi32>
      %select_n3A_1228 = arith.select %gt3A_1225, %broadcast_in_dim3A_1227, %scan3A_1199 : vector<16xi1>, vector<16xi32>
      %add3A_1229 = arith.constant 2 : i32
      %add3A_1230 = arith.addi %mul3A_1207, %add3A_1229 : i32
      %mul3A_1231 = arith.constant 16 : i32
      %mul3A_1232 = arith.muli %add3A_1230, %mul3A_1231 : i32
      %get3A_1233 = arith.index_cast %mul3A_1232 : i32 to index
      %get3A_1234 = tpu.vector_load %arg4[%get3A_1233] {strides = array<i32>} : memref<32768xf32, #tpu.memory_space<vmem>>, vector<16xf32>,
      %get3A_1235 = vector.shape_cast %get3A_1234 : vector<16xf32> to vector<16xf32>
      %gt3A_1236 = arith.cmpf ogt, %get3A_1235, %scan3A_1192 : vector<16xf32>
      %select_n3A_1237 = arith.select %gt3A_1236, %get3A_1235, %scan3A_1192 : vector<16xi1>, vector<16xf32>
      %broadcast_in_dim3A_1238 = vector.broadcast %add3A_1230 : i32 to vector<16xi32>
      %select_n3A_1239 = arith.select %gt3A_1236, %broadcast_in_dim3A_1238, %scan3A_1200 : vector<16xi1>, vector<16xi32>
      %add3A_1240 = arith.constant 3 : i32
      %add3A_1241 = arith.addi %mul3A_1207, %add3A_1240 : i32
      %mul3A_1242 = arith.constant 16 : i32
      %mul3A_1243 = arith.muli %add3A_1241, %mul3A_1242 : i32
      %get3A_1244 = arith.index_cast %mul3A_1243 : i32 to index
      %get3A_1245 = tpu.vector_load %arg4[%get3A_1244] {strides = array<i32>} : memref<32768xf32, #tpu.memory_space<vmem>>, vector<16xf32>,
      %get3A_1246 = vector.shape_cast %get3A_1245 : vector<16xf32> to vector<16xf32>
      %gt3A_1247 = arith.cmpf ogt, %get3A_1246, %scan3A_1193 : vector<16xf32>
      %select_n3A_1248 = arith.select %gt3A_1247, %get3A_1246, %scan3A_1193 : vector<16xi1>, vector<16xf32>
      %broadcast_in_dim3A_1249 = vector.broadcast %add3A_1241 : i32 to vector<16xi32>
      %select_n3A_1250 = arith.select %gt3A_1247, %broadcast_in_dim3A_1249, %scan3A_1201 : vector<16xi1>, vector<16xi32>
      %add3A_1251 = arith.constant 4 : i32
      %add3A_1252 = arith.addi %mul3A_1207, %add3A_1251 : i32
      %mul3A_1253 = arith.constant 16 : i32
      %mul3A_1254 = arith.muli %add3A_1252, %mul3A_1253 : i32
      %get3A_1255 = arith.index_cast %mul3A_1254 : i32 to index
      %get3A_1256 = tpu.vector_load %arg4[%get3A_1255] {strides = array<i32>} : memref<32768xf32, #tpu.memory_space<vmem>>, vector<16xf32>,
      %get3A_1257 = vector.shape_cast %get3A_1256 : vector<16xf32> to vector<16xf32>
      %gt3A_1258 = arith.cmpf ogt, %get3A_1257, %scan3A_1194 : vector<16xf32>
      %select_n3A_1259 = arith.select %gt3A_1258, %get3A_1257, %scan3A_1194 : vector<16xi1>, vector<16xf32>
      %broadcast_in_dim3A_1260 = vector.broadcast %add3A_1252 : i32 to vector<16xi32>
      %select_n3A_1261 = arith.select %gt3A_1258, %broadcast_in_dim3A_1260, %scan3A_1202 : vector<16xi1>, vector<16xi32>
      %add3A_1262 = arith.constant 5 : i32
      %add3A_1263 = arith.addi %mul3A_1207, %add3A_1262 : i32
      %mul3A_1264 = arith.constant 16 : i32
      %mul3A_1265 = arith.muli %add3A_1263, %mul3A_1264 : i32
      %get3A_1266 = arith.index_cast %mul3A_1265 : i32 to index
      %get3A_1267 = tpu.vector_load %arg4[%get3A_1266] {strides = array<i32>} : memref<32768xf32, #tpu.memory_space<vmem>>, vector<16xf32>,
      %get3A_1268 = vector.shape_cast %get3A_1267 : vector<16xf32> to vector<16xf32>
      %gt3A_1269 = arith.cmpf ogt, %get3A_1268, %scan3A_1195 : vector<16xf32>
      %select_n3A_1270 = arith.select %gt3A_1269, %get3A_1268, %scan3A_1195 : vector<16xi1>, vector<16xf32>
      %broadcast_in_dim3A_1271 = vector.broadcast %add3A_1263 : i32 to vector<16xi32>
      %select_n3A_1272 = arith.select %gt3A_1269, %broadcast_in_dim3A_1271, %scan3A_1203 : vector<16xi1>, vector<16xi32>
      %add3A_1273 = arith.constant 6 : i32
      %add3A_1274 = arith.addi %mul3A_1207, %add3A_1273 : i32
      %mul3A_1275 = arith.constant 16 : i32
      %mul3A_1276 = arith.muli %add3A_1274, %mul3A_1275 : i32
      %get3A_1277 = arith.index_cast %mul3A_1276 : i32 to index
      %get3A_1278 = tpu.vector_load %arg4[%get3A_1277] {strides = array<i32>} : memref<32768xf32, #tpu.memory_space<vmem>>, vector<16xf32>,
      %get3A_1279 = vector.shape_cast %get3A_1278 : vector<16xf32> to vector<16xf32>
      %gt3A_1280 = arith.cmpf ogt, %get3A_1279, %scan3A_1196 : vector<16xf32>
      %select_n3A_1281 = arith.select %gt3A_1280, %get3A_1279, %scan3A_1196 : vector<16xi1>, vector<16xf32>
      %broadcast_in_dim3A_1282 = vector.broadcast %add3A_1274 : i32 to vector<16xi32>
      %select_n3A_1283 = arith.select %gt3A_1280, %broadcast_in_dim3A_1282, %scan3A_1204 : vector<16xi1>, vector<16xi32>
      %add3A_1284 = arith.constant 7 : i32
      %add3A_1285 = arith.addi %mul3A_1207, %add3A_1284 : i32
      %mul3A_1286 = arith.constant 16 : i32
      %mul3A_1287 = arith.muli %add3A_1285, %mul3A_1286 : i32
      %get3A_1288 = arith.index_cast %mul3A_1287 : i32 to index
      %get3A_1289 = tpu.vector_load %arg4[%get3A_1288] {strides = array<i32>} : memref<32768xf32, #tpu.memory_space<vmem>>, vector<16xf32>,
      %get3A_1290 = vector.shape_cast %get3A_1289 : vector<16xf32> to vector<16xf32>
      %gt3A_1291 = arith.cmpf ogt, %get3A_1290, %scan3A_1197 : vector<16xf32>
      %select_n3A_1292 = arith.select %gt3A_1291, %get3A_1290, %scan3A_1197 : vector<16xi1>, vector<16xf32>
      %broadcast_in_dim3A_1293 = vector.broadcast %add3A_1285 : i32 to vector<16xi32>
      %select_n3A_1294 = arith.select %gt3A_1291, %broadcast_in_dim3A_1293, %scan3A_1205 : vector<16xi1>, vector<16xi32>
      scf.yield %select_n3A_1215, %select_n3A_1226, %select_n3A_1237, %select_n3A_1248, %select_n3A_1259, %select_n3A_1270, %select_n3A_1281, %select_n3A_1292, %select_n3A_1217, %select_n3A_1228, %select_n3A_1239, %select_n3A_1250, %select_n3A_1261, %select_n3A_1272, %select_n3A_1283, %select_n3A_1294 : vector<16xf32>, vector<16xf32>, vector<16xf32>, vector<16xf32>, vector<16xf32>, vector<16xf32>, vector<16xf32>, vector<16xf32>, vector<16xi32>, vector<16xi32>, vector<16xi32>, vector<16xi32>, vector<16xi32>, vector<16xi32>, vector<16xi32>, vector<16xi32>
    }
    %scan3A_644 = arith.constant 256 : i32
    %mul3A_645 = arith.constant 16 : i32
    %mul3A_646 = vector.broadcast %mul3A_645 : i32 to vector<16xi32>
    %mul3A_647 = arith.muli %scan3A_643#8, %mul3A_646 : vector<16xi32>
    %add3A_648 = arith.addi %mul3A_647, %iota3A : vector<16xi32>
    %mul3A_649 = arith.constant 16 : i32
    %mul3A_650 = vector.broadcast %mul3A_649 : i32 to vector<16xi32>
    %mul3A_651 = arith.muli %scan3A_643#9, %mul3A_650 : vector<16xi32>
    %add3A_652 = arith.addi %mul3A_651, %iota3A : vector<16xi32>
    %mul3A_653 = arith.constant 16 : i32
    %mul3A_654 = vector.broadcast %mul3A_653 : i32 to vector<16xi32>
    %mul3A_655 = arith.muli %scan3A_643#10, %mul3A_654 : vector<16xi32>
    %add3A_656 = arith.addi %mul3A_655, %iota3A : vector<16xi32>
    %mul3A_657 = arith.constant 16 : i32
    %mul3A_658 = vector.broadcast %mul3A_657 : i32 to vector<16xi32>
    %mul3A_659 = arith.muli %scan3A_643#11, %mul3A_658 : vector<16xi32>
    %add3A_660 = arith.addi %mul3A_659, %iota3A : vector<16xi32>
    %mul3A_661 = arith.constant 16 : i32
    %mul3A_662 = vector.broadcast %mul3A_661 : i32 to vector<16xi32>
    %mul3A_663 = arith.muli %scan3A_643#12, %mul3A_662 : vector<16xi32>
    %add3A_664 = arith.addi %mul3A_663, %iota3A : vector<16xi32>
    %mul3A_665 = arith.constant 16 : i32
    %mul3A_666 = vector.broadcast %mul3A_665 : i32 to vector<16xi32>
    %mul3A_667 = arith.muli %scan3A_643#13, %mul3A_666 : vector<16xi32>
    %add3A_668 = arith.addi %mul3A_667, %iota3A : vector<16xi32>
    %mul3A_669 = arith.constant 16 : i32
    %mul3A_670 = vector.broadcast %mul3A_669 : i32 to vector<16xi32>
    %mul3A_671 = arith.muli %scan3A_643#14, %mul3A_670 : vector<16xi32>
    %add3A_672 = arith.addi %mul3A_671, %iota3A : vector<16xi32>
    %mul3A_673 = arith.constant 16 : i32
    %mul3A_674 = vector.broadcast %mul3A_673 : i32 to vector<16xi32>
    %mul3A_675 = arith.muli %scan3A_643#15, %mul3A_674 : vector<16xi32>
    %add3A_676 = arith.addi %mul3A_675, %iota3A : vector<16xi32>
    %gt3A_677 = arith.cmpf ogt, %scan3A_643#1, %scan3A_643#0 : vector<16xf32>
    %eq3A_678 = arith.cmpf oeq, %scan3A_643#1, %scan3A_643#0 : vector<16xf32>
    %lt3A_679 = arith.cmpi slt, %add3A_652, %add3A_648 : vector<16xi32>
    %and3A_680 = arith.andi %eq3A_678, %lt3A_679 : vector<16xi1>
    %or3A_681 = arith.ori %gt3A_677, %and3A_680 : vector<16xi1>
    %select_n3A_682 = arith.select %or3A_681, %scan3A_643#1, %scan3A_643#0 : vector<16xi1>, vector<16xf32>
    %select_n3A_683 = arith.select %or3A_681, %add3A_652, %add3A_648 : vector<16xi1>, vector<16xi32>
    %gt3A_684 = arith.cmpf ogt, %scan3A_643#3, %scan3A_643#2 : vector<16xf32>
    %eq3A_685 = arith.cmpf oeq, %scan3A_643#3, %scan3A_643#2 : vector<16xf32>
    %lt3A_686 = arith.cmpi slt, %add3A_660, %add3A_656 : vector<16xi32>
    %and3A_687 = arith.andi %eq3A_685, %lt3A_686 : vector<16xi1>
    %or3A_688 = arith.ori %gt3A_684, %and3A_687 : vector<16xi1>
    %select_n3A_689 = arith.select %or3A_688, %scan3A_643#3, %scan3A_643#2 : vector<16xi1>, vector<16xf32>
    %select_n3A_690 = arith.select %or3A_688, %add3A_660, %add3A_656 : vector<16xi1>, vector<16xi32>
    %gt3A_691 = arith.cmpf ogt, %scan3A_643#5, %scan3A_643#4 : vector<16xf32>
    %eq3A_692 = arith.cmpf oeq, %scan3A_643#5, %scan3A_643#4 : vector<16xf32>
    %lt3A_693 = arith.cmpi slt, %add3A_668, %add3A_664 : vector<16xi32>
    %and3A_694 = arith.andi %eq3A_692, %lt3A_693 : vector<16xi1>
    %or3A_695 = arith.ori %gt3A_691, %and3A_694 : vector<16xi1>
    %select_n3A_696 = arith.select %or3A_695, %scan3A_643#5, %scan3A_643#4 : vector<16xi1>, vector<16xf32>
    %select_n3A_697 = arith.select %or3A_695, %add3A_668, %add3A_664 : vector<16xi1>, vector<16xi32>
    %gt3A_698 = arith.cmpf ogt, %scan3A_643#7, %scan3A_643#6 : vector<16xf32>
    %eq3A_699 = arith.cmpf oeq, %scan3A_643#7, %scan3A_643#6 : vector<16xf32>
    %lt3A_700 = arith.cmpi slt, %add3A_676, %add3A_672 : vector<16xi32>
    %and3A_701 = arith.andi %eq3A_699, %lt3A_700 : vector<16xi1>
    %or3A_702 = arith.ori %gt3A_698, %and3A_701 : vector<16xi1>
    %select_n3A_703 = arith.select %or3A_702, %scan3A_643#7, %scan3A_643#6 : vector<16xi1>, vector<16xf32>
    %select_n3A_704 = arith.select %or3A_702, %add3A_676, %add3A_672 : vector<16xi1>, vector<16xi32>
    %gt3A_705 = arith.cmpf ogt, %select_n3A_689, %select_n3A_682 : vector<16xf32>
    %eq3A_706 = arith.cmpf oeq, %select_n3A_689, %select_n3A_682 : vector<16xf32>
    %lt3A_707 = arith.cmpi slt, %select_n3A_690, %select_n3A_683 : vector<16xi32>
    %and3A_708 = arith.andi %eq3A_706, %lt3A_707 : vector<16xi1>
    %or3A_709 = arith.ori %gt3A_705, %and3A_708 : vector<16xi1>
    %select_n3A_710 = arith.select %or3A_709, %select_n3A_689, %select_n3A_682 : vector<16xi1>, vector<16xf32>
    %select_n3A_711 = arith.select %or3A_709, %select_n3A_690, %select_n3A_683 : vector<16xi1>, vector<16xi32>
    %gt3A_712 = arith.cmpf ogt, %select_n3A_703, %select_n3A_696 : vector<16xf32>
    %eq3A_713 = arith.cmpf oeq, %select_n3A_703, %select_n3A_696 : vector<16xf32>
    %lt3A_714 = arith.cmpi slt, %select_n3A_704, %select_n3A_697 : vector<16xi32>
    %and3A_715 = arith.andi %eq3A_713, %lt3A_714 : vector<16xi1>
    %or3A_716 = arith.ori %gt3A_712, %and3A_715 : vector<16xi1>
    %select_n3A_717 = arith.select %or3A_716, %select_n3A_703, %select_n3A_696 : vector<16xi1>, vector<16xf32>
    %select_n3A_718 = arith.select %or3A_716, %select_n3A_704, %select_n3A_697 : vector<16xi1>, vector<16xi32>
    %gt3A_719 = arith.cmpf ogt, %select_n3A_717, %select_n3A_710 : vector<16xf32>
    %eq3A_720 = arith.cmpf oeq, %select_n3A_717, %select_n3A_710 : vector<16xf32>
    %lt3A_721 = arith.cmpi slt, %select_n3A_718, %select_n3A_711 : vector<16xi32>
    %and3A_722 = arith.andi %eq3A_720, %lt3A_721 : vector<16xi1>
    %or3A_723 = arith.ori %gt3A_719, %and3A_722 : vector<16xi1>
    %select_n3A_724 = arith.select %or3A_723, %select_n3A_717, %select_n3A_710 : vector<16xi1>, vector<16xf32>
    %select_n3A_725 = arith.select %or3A_723, %select_n3A_718, %select_n3A_711 : vector<16xi1>, vector<16xi32>
    %add3A_726 = arith.constant 8 : i32
    %add3A_727 = vector.broadcast %add3A_726 : i32 to vector<16xi32>
    %add3A_728 = arith.addi %iota3A, %add3A_727 : vector<16xi32>
    %and3A_729 = arith.constant 15 : i32
    %and3A_730 = vector.broadcast %and3A_729 : i32 to vector<16xi32>
    %and3A_731 = arith.andi %add3A_728, %and3A_730 : vector<16xi32>
    %lt3A_732 = arith.constant 0 : i32
    %lt3A_733 = vector.broadcast %lt3A_732 : i32 to vector<16xi32>
    %lt3A_734 = arith.cmpi slt, %and3A_731, %lt3A_733 : vector<16xi32>
    %add3A_735 = arith.constant 16 : i32
    %add3A_736 = vector.broadcast %add3A_735 : i32 to vector<16xi32>
    %add3A_737 = arith.addi %and3A_731, %add3A_736 : vector<16xi32>
    %select_n3A_738 = arith.select %lt3A_734, %add3A_737, %and3A_731 : vector<16xi1>, vector<16xi32>
    %broadcast_in_dim3A_739 = vector.shape_cast %select_n3A_738 : vector<16xi32> to vector<16x1xi32>
    %gather3A_740 = vector.shape_cast %broadcast_in_dim3A_739 : vector<16x1xi32> to vector<16xi32>
    %gather3A_741 = tpu.dynamic_gather %select_n3A_724[%gather3A_740] in [0] : vector<16xf32>, vector<16xi32> -> vector<16xf32>
    %lt3A_742 = arith.constant 0 : i32
    %lt3A_743 = vector.broadcast %lt3A_742 : i32 to vector<16xi32>
    %lt3A_744 = arith.cmpi slt, %and3A_731, %lt3A_743 : vector<16xi32>
    %add3A_745 = arith.constant 16 : i32
    %add3A_746 = vector.broadcast %add3A_745 : i32 to vector<16xi32>
    %add3A_747 = arith.addi %and3A_731, %add3A_746 : vector<16xi32>
    %select_n3A_748 = arith.select %lt3A_744, %add3A_747, %and3A_731 : vector<16xi1>, vector<16xi32>
    %broadcast_in_dim3A_749 = vector.shape_cast %select_n3A_748 : vector<16xi32> to vector<16x1xi32>
    %gather3A_750 = vector.shape_cast %broadcast_in_dim3A_749 : vector<16x1xi32> to vector<16xi32>
    %gather3A_751 = tpu.dynamic_gather %select_n3A_725[%gather3A_750] in [0] : vector<16xi32>, vector<16xi32> -> vector<16xi32>
    %gt3A_752 = arith.cmpf ogt, %gather3A_741, %select_n3A_724 : vector<16xf32>
    %eq3A_753 = arith.cmpf oeq, %gather3A_741, %select_n3A_724 : vector<16xf32>
    %lt3A_754 = arith.cmpi slt, %gather3A_751, %select_n3A_725 : vector<16xi32>
    %and3A_755 = arith.andi %eq3A_753, %lt3A_754 : vector<16xi1>
    %or3A_756 = arith.ori %gt3A_752, %and3A_755 : vector<16xi1>
    %select_n3A_757 = arith.select %or3A_756, %gather3A_741, %select_n3A_724 : vector<16xi1>, vector<16xf32>
    %select_n3A_758 = arith.select %or3A_756, %gather3A_751, %select_n3A_725 : vector<16xi1>, vector<16xi32>
    %add3A_759 = arith.constant 4 : i32
    %add3A_760 = vector.broadcast %add3A_759 : i32 to vector<16xi32>
    %add3A_761 = arith.addi %iota3A, %add3A_760 : vector<16xi32>
    %and3A_762 = arith.constant 15 : i32
    %and3A_763 = vector.broadcast %and3A_762 : i32 to vector<16xi32>
    %and3A_764 = arith.andi %add3A_761, %and3A_763 : vector<16xi32>
    %lt3A_765 = arith.constant 0 : i32
    %lt3A_766 = vector.broadcast %lt3A_765 : i32 to vector<16xi32>
    %lt3A_767 = arith.cmpi slt, %and3A_764, %lt3A_766 : vector<16xi32>
    %add3A_768 = arith.constant 16 : i32
    %add3A_769 = vector.broadcast %add3A_768 : i32 to vector<16xi32>
    %add3A_770 = arith.addi %and3A_764, %add3A_769 : vector<16xi32>
    %select_n3A_771 = arith.select %lt3A_767, %add3A_770, %and3A_764 : vector<16xi1>, vector<16xi32>
    %broadcast_in_dim3A_772 = vector.shape_cast %select_n3A_771 : vector<16xi32> to vector<16x1xi32>
    %gather3A_773 = vector.shape_cast %broadcast_in_dim3A_772 : vector<16x1xi32> to vector<16xi32>
    %gather3A_774 = tpu.dynamic_gather %select_n3A_757[%gather3A_773] in [0] : vector<16xf32>, vector<16xi32> -> vector<16xf32>
    %lt3A_775 = arith.constant 0 : i32
    %lt3A_776 = vector.broadcast %lt3A_775 : i32 to vector<16xi32>
    %lt3A_777 = arith.cmpi slt, %and3A_764, %lt3A_776 : vector<16xi32>
    %add3A_778 = arith.constant 16 : i32
    %add3A_779 = vector.broadcast %add3A_778 : i32 to vector<16xi32>
    %add3A_780 = arith.addi %and3A_764, %add3A_779 : vector<16xi32>
    %select_n3A_781 = arith.select %lt3A_777, %add3A_780, %and3A_764 : vector<16xi1>, vector<16xi32>
    %broadcast_in_dim3A_782 = vector.shape_cast %select_n3A_781 : vector<16xi32> to vector<16x1xi32>
    %gather3A_783 = vector.shape_cast %broadcast_in_dim3A_782 : vector<16x1xi32> to vector<16xi32>
    %gather3A_784 = tpu.dynamic_gather %select_n3A_758[%gather3A_783] in [0] : vector<16xi32>, vector<16xi32> -> vector<16xi32>
    %gt3A_785 = arith.cmpf ogt, %gather3A_774, %select_n3A_757 : vector<16xf32>
    %eq3A_786 = arith.cmpf oeq, %gather3A_774, %select_n3A_757 : vector<16xf32>
    %lt3A_787 = arith.cmpi slt, %gather3A_784, %select_n3A_758 : vector<16xi32>
    %and3A_788 = arith.andi %eq3A_786, %lt3A_787 : vector<16xi1>
    %or3A_789 = arith.ori %gt3A_785, %and3A_788 : vector<16xi1>
    %select_n3A_790 = arith.select %or3A_789, %gather3A_774, %select_n3A_757 : vector<16xi1>, vector<16xf32>
    %select_n3A_791 = arith.select %or3A_789, %gather3A_784, %select_n3A_758 : vector<16xi1>, vector<16xi32>
    %add3A_792 = arith.constant 2 : i32
    %add3A_793 = vector.broadcast %add3A_792 : i32 to vector<16xi32>
    %add3A_794 = arith.addi %iota3A, %add3A_793 : vector<16xi32>
    %and3A_795 = arith.constant 15 : i32
    %and3A_796 = vector.broadcast %and3A_795 : i32 to vector<16xi32>
    %and3A_797 = arith.andi %add3A_794, %and3A_796 : vector<16xi32>
    %lt3A_798 = arith.constant 0 : i32
    %lt3A_799 = vector.broadcast %lt3A_798 : i32 to vector<16xi32>
    %lt3A_800 = arith.cmpi slt, %and3A_797, %lt3A_799 : vector<16xi32>
    %add3A_801 = arith.constant 16 : i32
    %add3A_802 = vector.broadcast %add3A_801 : i32 to vector<16xi32>
    %add3A_803 = arith.addi %and3A_797, %add3A_802 : vector<16xi32>
    %select_n3A_804 = arith.select %lt3A_800, %add3A_803, %and3A_797 : vector<16xi1>, vector<16xi32>
    %broadcast_in_dim3A_805 = vector.shape_cast %select_n3A_804 : vector<16xi32> to vector<16x1xi32>
    %gather3A_806 = vector.shape_cast %broadcast_in_dim3A_805 : vector<16x1xi32> to vector<16xi32>
    %gather3A_807 = tpu.dynamic_gather %select_n3A_790[%gather3A_806] in [0] : vector<16xf32>, vector<16xi32> -> vector<16xf32>
    %lt3A_808 = arith.constant 0 : i32
    %lt3A_809 = vector.broadcast %lt3A_808 : i32 to vector<16xi32>
    %lt3A_810 = arith.cmpi slt, %and3A_797, %lt3A_809 : vector<16xi32>
    %add3A_811 = arith.constant 16 : i32
    %add3A_812 = vector.broadcast %add3A_811 : i32 to vector<16xi32>
    %add3A_813 = arith.addi %and3A_797, %add3A_812 : vector<16xi32>
    %select_n3A_814 = arith.select %lt3A_810, %add3A_813, %and3A_797 : vector<16xi1>, vector<16xi32>
    %broadcast_in_dim3A_815 = vector.shape_cast %select_n3A_814 : vector<16xi32> to vector<16x1xi32>
    %gather3A_816 = vector.shape_cast %broadcast_in_dim3A_815 : vector<16x1xi32> to vector<16xi32>
    %gather3A_817 = tpu.dynamic_gather %select_n3A_791[%gather3A_816] in [0] : vector<16xi32>, vector<16xi32> -> vector<16xi32>
    %gt3A_818 = arith.cmpf ogt, %gather3A_807, %select_n3A_790 : vector<16xf32>
    %eq3A_819 = arith.cmpf oeq, %gather3A_807, %select_n3A_790 : vector<16xf32>
    %lt3A_820 = arith.cmpi slt, %gather3A_817, %select_n3A_791 : vector<16xi32>
    %and3A_821 = arith.andi %eq3A_819, %lt3A_820 : vector<16xi1>
    %or3A_822 = arith.ori %gt3A_818, %and3A_821 : vector<16xi1>
    %select_n3A_823 = arith.select %or3A_822, %gather3A_807, %select_n3A_790 : vector<16xi1>, vector<16xf32>
    %select_n3A_824 = arith.select %or3A_822, %gather3A_817, %select_n3A_791 : vector<16xi1>, vector<16xi32>
    %add3A_825 = arith.constant 1 : i32
    %add3A_826 = vector.broadcast %add3A_825 : i32 to vector<16xi32>
    %add3A_827 = arith.addi %iota3A, %add3A_826 : vector<16xi32>
    %and3A_828 = arith.constant 15 : i32
    %and3A_829 = vector.broadcast %and3A_828 : i32 to vector<16xi32>
    %and3A_830 = arith.andi %add3A_827, %and3A_829 : vector<16xi32>
    %lt3A_831 = arith.constant 0 : i32
    %lt3A_832 = vector.broadcast %lt3A_831 : i32 to vector<16xi32>
    %lt3A_833 = arith.cmpi slt, %and3A_830, %lt3A_832 : vector<16xi32>
    %add3A_834 = arith.constant 16 : i32
    %add3A_835 = vector.broadcast %add3A_834 : i32 to vector<16xi32>
    %add3A_836 = arith.addi %and3A_830, %add3A_835 : vector<16xi32>
    %select_n3A_837 = arith.select %lt3A_833, %add3A_836, %and3A_830 : vector<16xi1>, vector<16xi32>
    %broadcast_in_dim3A_838 = vector.shape_cast %select_n3A_837 : vector<16xi32> to vector<16x1xi32>
    %gather3A_839 = vector.shape_cast %broadcast_in_dim3A_838 : vector<16x1xi32> to vector<16xi32>
    %gather3A_840 = tpu.dynamic_gather %select_n3A_823[%gather3A_839] in [0] : vector<16xf32>, vector<16xi32> -> vector<16xf32>
    %lt3A_841 = arith.constant 0 : i32
    %lt3A_842 = vector.broadcast %lt3A_841 : i32 to vector<16xi32>
    %lt3A_843 = arith.cmpi slt, %and3A_830, %lt3A_842 : vector<16xi32>
    %add3A_844 = arith.constant 16 : i32
    %add3A_845 = vector.broadcast %add3A_844 : i32 to vector<16xi32>
    %add3A_846 = arith.addi %and3A_830, %add3A_845 : vector<16xi32>
    %select_n3A_847 = arith.select %lt3A_843, %add3A_846, %and3A_830 : vector<16xi1>, vector<16xi32>
    %broadcast_in_dim3A_848 = vector.shape_cast %select_n3A_847 : vector<16xi32> to vector<16x1xi32>
    %gather3A_849 = vector.shape_cast %broadcast_in_dim3A_848 : vector<16x1xi32> to vector<16xi32>
    %gather3A_850 = tpu.dynamic_gather %select_n3A_824[%gather3A_849] in [0] : vector<16xi32>, vector<16xi32> -> vector<16xi32>
    %gt3A_851 = arith.cmpf ogt, %gather3A_840, %select_n3A_823 : vector<16xf32>
    %eq3A_852 = arith.cmpf oeq, %gather3A_840, %select_n3A_823 : vector<16xf32>
    %lt3A_853 = arith.cmpi slt, %gather3A_850, %select_n3A_824 : vector<16xi32>
    %and3A_854 = arith.andi %eq3A_852, %lt3A_853 : vector<16xi1>
    %or3A_855 = arith.ori %gt3A_851, %and3A_854 : vector<16xi1>
    %select_n3A_856 = arith.select %or3A_855, %gather3A_840, %select_n3A_823 : vector<16xi1>, vector<16xf32>
    %select_n3A_857 = arith.select %or3A_855, %gather3A_850, %select_n3A_824 : vector<16xi1>, vector<16xi32>
    %slice3A_858 = vector.extract_strided_slice %select_n3A_857 {offsets = [0], sizes = [1], strides = [1]} : vector<16xi32> to vector<1xi32>
    %squeeze3A_859 = vector.extract %slice3A_858[0] : i32 from vector<1xi32>
    %and3A_860 = arith.constant -16 : i32
    %and3A_861 = arith.andi %squeeze3A_859, %and3A_860 : i32
    %sub3A_862 = arith.subi %squeeze3A_859, %and3A_861 : i32
    %eq3A_863 = vector.broadcast %sub3A_862 : i32 to vector<16xi32>
    %eq3A_864 = arith.cmpi eq, %iota3A, %eq3A_863 : vector<16xi32>
    %jit3A_865 = arith.constant 1.000000e+00 : f32
    %jit3A_866 = arith.constant 0.000000e+00 : f32
    %broadcast_in_dim3A_867 = vector.broadcast %jit3A_865 : f32 to vector<16xf32>
    %broadcast_in_dim3A_868 = vector.broadcast %jit3A_866 : f32 to vector<16xf32>
    %select_n3A_869 = arith.select %eq3A_864, %broadcast_in_dim3A_867, %broadcast_in_dim3A_868 : vector<16xi1>, vector<16xf32>
    %dma_wait3A_870 = arith.constant 0 : i32
    %dma_wait3A_871 = tpu.memref_slice %arg3[%add3A_594, %dma_wait3A_870] : memref<128x32768xf32, #tpu.memory_space<hbm>> -> memref<1x32768xf32, #tpu.memory_space<hbm>>
    %dma_wait3A_872 = tpu.memref_squeeze %dma_wait3A_871 : memref<1x32768xf32, #tpu.memory_space<hbm>> -> memref<32768xf32, #tpu.memory_space<hbm>>
    %dma_wait3A_873 = arith.constant 0 : i32
    %dma_wait3A_874 = tpu.memref_slice %arg3[%add3A_594, %dma_wait3A_873] : memref<128x32768xf32, #tpu.memory_space<hbm>> -> memref<1x32768xf32, #tpu.memory_space<hbm>>
    %dma_wait3A_875 = tpu.memref_squeeze %dma_wait3A_874 : memref<1x32768xf32, #tpu.memory_space<hbm>> -> memref<32768xf32, #tpu.memory_space<hbm>>
    tpu.wait_dma2 semaphore(%arg9 : memref<!tpu.dma_semaphore, #tpu.memory_space<semaphore_mem>>) src(%arg6 : memref<32768xf32, #tpu.memory_space<vmem>>) dst(%dma_wait3A_875 : memref<32768xf32, #tpu.memory_space<hbm>>)
    %swap3A_876 = arith.index_cast %and3A_570 : i32 to index
    %swap3A_877 = tpu.vector_load %arg6[%swap3A_876] {strides = array<i32>} : memref<32768xf32, #tpu.memory_space<vmem>>, vector<16xf32>,
    %swap3A_878 = vector.shape_cast %swap3A_877 : vector<16xf32> to vector<16xf32>
    %swap3A_879 = vector.shape_cast %broadcast_in_dim3A_3 : vector<16xf32> to vector<16xf32>
    tpu.vector_store %arg6[%swap3A_876], %swap3A_879 {strides = array<i32>} : memref<32768xf32, #tpu.memory_space<vmem>>, vector<16xf32>,
    %swap3A_880 = arith.index_cast %and3A_861 : i32 to index
    %swap3A_881 = tpu.vector_load %arg6[%swap3A_880] {strides = array<i32>} : memref<32768xf32, #tpu.memory_space<vmem>>, vector<16xf32>,
    %swap3A_882 = vector.shape_cast %swap3A_881 : vector<16xf32> to vector<16xf32>
    %swap3A_883 = vector.shape_cast %select_n3A_869 : vector<16xf32> to vector<16xf32>
    tpu.vector_store %arg6[%swap3A_880], %swap3A_883 {strides = array<i32>} : memref<32768xf32, #tpu.memory_space<vmem>>, vector<16xf32>,
    %add3A_884 = arith.constant 2 : i32
    %add3A_885 = arith.addi %mul3A_2, %add3A_884 : i32
    %dma_start3A_886 = arith.constant 0 : i32
    %dma_start3A_887 = tpu.memref_slice %arg3[%add3A_885, %dma_start3A_886] : memref<128x32768xf32, #tpu.memory_space<hbm>> -> memref<1x32768xf32, #tpu.memory_space<hbm>>
    %dma_start3A_888 = tpu.memref_squeeze %dma_start3A_887 : memref<1x32768xf32, #tpu.memory_space<hbm>> -> memref<32768xf32, #tpu.memory_space<hbm>>
    %dma_start3A_889 = arith.constant 0 : i32
    %dma_start3A_890 = tpu.memref_slice %arg3[%add3A_885, %dma_start3A_889] : memref<128x32768xf32, #tpu.memory_space<hbm>> -> memref<1x32768xf32, #tpu.memory_space<hbm>>
    %dma_start3A_891 = tpu.memref_squeeze %dma_start3A_890 : memref<1x32768xf32, #tpu.memory_space<hbm>> -> memref<32768xf32, #tpu.memory_space<hbm>>
    tpu.enqueue_dma source(%arg6 : memref<32768xf32, #tpu.memory_space<vmem>>) target(%dma_start3A_891 : memref<32768xf32, #tpu.memory_space<hbm>>) target_semaphore(%arg9 : memref<!tpu.dma_semaphore, #tpu.memory_space<semaphore_mem>>)
    %dma_wait3A_892 = arith.constant 0 : i32
    %dma_wait3A_893 = tpu.memref_slice %arg2[%add3A_560, %dma_wait3A_892] : memref<128x32768xf32, #tpu.memory_space<hbm>> -> memref<1x32768xf32, #tpu.memory_space<hbm>>
    %dma_wait3A_894 = tpu.memref_squeeze %dma_wait3A_893 : memref<1x32768xf32, #tpu.memory_space<hbm>> -> memref<32768xf32, #tpu.memory_space<hbm>>
    %dma_wait3A_895 = arith.constant 0 : i32
    %dma_wait3A_896 = tpu.memref_slice %arg2[%add3A_560, %dma_wait3A_895] : memref<128x32768xf32, #tpu.memory_space<hbm>> -> memref<1x32768xf32, #tpu.memory_space<hbm>>
    %dma_wait3A_897 = tpu.memref_squeeze %dma_wait3A_896 : memref<1x32768xf32, #tpu.memory_space<hbm>> -> memref<32768xf32, #tpu.memory_space<hbm>>
    tpu.wait_dma2 semaphore(%arg8 : memref<!tpu.dma_semaphore, #tpu.memory_space<semaphore_mem>>) src(%dma_wait3A_897 : memref<32768xf32, #tpu.memory_space<hbm>>) dst(%arg5 : memref<32768xf32, #tpu.memory_space<vmem>>)
    %broadcast_in_dim3A_898 = arith.constant 0xFF800000 : f32
    %broadcast_in_dim3A_899 = vector.broadcast %broadcast_in_dim3A_898 : f32 to vector<16xf32>
    %broadcast_in_dim3A_900 = arith.constant 0xFF800000 : f32
    %broadcast_in_dim3A_901 = vector.broadcast %broadcast_in_dim3A_900 : f32 to vector<16xf32>
    %broadcast_in_dim3A_902 = arith.constant 0xFF800000 : f32
    %broadcast_in_dim3A_903 = vector.broadcast %broadcast_in_dim3A_902 : f32 to vector<16xf32>
    %broadcast_in_dim3A_904 = arith.constant 0xFF800000 : f32
    %broadcast_in_dim3A_905 = vector.broadcast %broadcast_in_dim3A_904 : f32 to vector<16xf32>
    %broadcast_in_dim3A_906 = arith.constant 0xFF800000 : f32
    %broadcast_in_dim3A_907 = vector.broadcast %broadcast_in_dim3A_906 : f32 to vector<16xf32>
    %broadcast_in_dim3A_908 = arith.constant 0xFF800000 : f32
    %broadcast_in_dim3A_909 = vector.broadcast %broadcast_in_dim3A_908 : f32 to vector<16xf32>
    %broadcast_in_dim3A_910 = arith.constant 0xFF800000 : f32
    %broadcast_in_dim3A_911 = vector.broadcast %broadcast_in_dim3A_910 : f32 to vector<16xf32>
    %broadcast_in_dim3A_912 = arith.constant 0xFF800000 : f32
    %broadcast_in_dim3A_913 = vector.broadcast %broadcast_in_dim3A_912 : f32 to vector<16xf32>
    %broadcast_in_dim3A_914 = arith.constant 0 : i32
    %broadcast_in_dim3A_915 = vector.broadcast %broadcast_in_dim3A_914 : i32 to vector<16xi32>
    %broadcast_in_dim3A_916 = arith.constant 0 : i32
    %broadcast_in_dim3A_917 = vector.broadcast %broadcast_in_dim3A_916 : i32 to vector<16xi32>
    %broadcast_in_dim3A_918 = arith.constant 0 : i32
    %broadcast_in_dim3A_919 = vector.broadcast %broadcast_in_dim3A_918 : i32 to vector<16xi32>
    %broadcast_in_dim3A_920 = arith.constant 0 : i32
    %broadcast_in_dim3A_921 = vector.broadcast %broadcast_in_dim3A_920 : i32 to vector<16xi32>
    %broadcast_in_dim3A_922 = arith.constant 0 : i32
    %broadcast_in_dim3A_923 = vector.broadcast %broadcast_in_dim3A_922 : i32 to vector<16xi32>
    %broadcast_in_dim3A_924 = arith.constant 0 : i32
    %broadcast_in_dim3A_925 = vector.broadcast %broadcast_in_dim3A_924 : i32 to vector<16xi32>
    %broadcast_in_dim3A_926 = arith.constant 0 : i32
    %broadcast_in_dim3A_927 = vector.broadcast %broadcast_in_dim3A_926 : i32 to vector<16xi32>
    %broadcast_in_dim3A_928 = arith.constant 0 : i32
    %broadcast_in_dim3A_929 = vector.broadcast %broadcast_in_dim3A_928 : i32 to vector<16xi32>
    %scan3A_930 = arith.constant 0 : i32
    %scan3A_931 = arith.constant 256 : i32
    %scan3A_932 = arith.addi %scan3A_930, %scan3A_931 : i32
    %scan3A_933 = arith.constant 1 : i32
    %scan3A_934:16 = scf.for %scan3A_1189 = %scan3A_930 to %scan3A_932 step %scan3A_933 iter_args(%scan3A_1190 = %broadcast_in_dim3A_899, %scan3A_1191 = %broadcast_in_dim3A_901, %scan3A_1192 = %broadcast_in_dim3A_903, %scan3A_1193 = %broadcast_in_dim3A_905, %scan3A_1194 = %broadcast_in_dim3A_907, %scan3A_1195 = %broadcast_in_dim3A_909, %scan3A_1196 = %broadcast_in_dim3A_911, %scan3A_1197 = %broadcast_in_dim3A_913, %scan3A_1198 = %broadcast_in_dim3A_915, %scan3A_1199 = %broadcast_in_dim3A_917, %scan3A_1200 = %broadcast_in_dim3A_919, %scan3A_1201 = %broadcast_in_dim3A_921, %scan3A_1202 = %broadcast_in_dim3A_923, %scan3A_1203 = %broadcast_in_dim3A_925, %scan3A_1204 = %broadcast_in_dim3A_927, %scan3A_1205 = %broadcast_in_dim3A_929) -> (vector<16xf32>, vector<16xf32>, vector<16xf32>, vector<16xf32>, vector<16xf32>, vector<16xf32>, vector<16xf32>, vector<16xf32>, vector<16xi32>, vector<16xi32>, vector<16xi32>, vector<16xi32>, vector<16xi32>, vector<16xi32>, vector<16xi32>, vector<16xi32>)  : i32 {
      %mul3A_1206 = arith.constant 8 : i32
      %mul3A_1207 = arith.muli %scan3A_1189, %mul3A_1206 : i32
      %add3A_1208 = arith.constant 0 : i32
      %add3A_1209 = arith.addi %mul3A_1207, %add3A_1208 : i32
      %mul3A_1210 = arith.constant 16 : i32
      %mul3A_1211 = arith.muli %add3A_1209, %mul3A_1210 : i32
      %get3A = arith.index_cast %mul3A_1211 : i32 to index
      %get3A_1212 = tpu.vector_load %arg5[%get3A] {strides = array<i32>} : memref<32768xf32, #tpu.memory_space<vmem>>, vector<16xf32>,
      %get3A_1213 = vector.shape_cast %get3A_1212 : vector<16xf32> to vector<16xf32>
      %gt3A_1214 = arith.cmpf ogt, %get3A_1213, %scan3A_1190 : vector<16xf32>
      %select_n3A_1215 = arith.select %gt3A_1214, %get3A_1213, %scan3A_1190 : vector<16xi1>, vector<16xf32>
      %broadcast_in_dim3A_1216 = vector.broadcast %add3A_1209 : i32 to vector<16xi32>
      %select_n3A_1217 = arith.select %gt3A_1214, %broadcast_in_dim3A_1216, %scan3A_1198 : vector<16xi1>, vector<16xi32>
      %add3A_1218 = arith.constant 1 : i32
      %add3A_1219 = arith.addi %mul3A_1207, %add3A_1218 : i32
      %mul3A_1220 = arith.constant 16 : i32
      %mul3A_1221 = arith.muli %add3A_1219, %mul3A_1220 : i32
      %get3A_1222 = arith.index_cast %mul3A_1221 : i32 to index
      %get3A_1223 = tpu.vector_load %arg5[%get3A_1222] {strides = array<i32>} : memref<32768xf32, #tpu.memory_space<vmem>>, vector<16xf32>,
      %get3A_1224 = vector.shape_cast %get3A_1223 : vector<16xf32> to vector<16xf32>
      %gt3A_1225 = arith.cmpf ogt, %get3A_1224, %scan3A_1191 : vector<16xf32>
      %select_n3A_1226 = arith.select %gt3A_1225, %get3A_1224, %scan3A_1191 : vector<16xi1>, vector<16xf32>
      %broadcast_in_dim3A_1227 = vector.broadcast %add3A_1219 : i32 to vector<16xi32>
      %select_n3A_1228 = arith.select %gt3A_1225, %broadcast_in_dim3A_1227, %scan3A_1199 : vector<16xi1>, vector<16xi32>
      %add3A_1229 = arith.constant 2 : i32
      %add3A_1230 = arith.addi %mul3A_1207, %add3A_1229 : i32
      %mul3A_1231 = arith.constant 16 : i32
      %mul3A_1232 = arith.muli %add3A_1230, %mul3A_1231 : i32
      %get3A_1233 = arith.index_cast %mul3A_1232 : i32 to index
      %get3A_1234 = tpu.vector_load %arg5[%get3A_1233] {strides = array<i32>} : memref<32768xf32, #tpu.memory_space<vmem>>, vector<16xf32>,
      %get3A_1235 = vector.shape_cast %get3A_1234 : vector<16xf32> to vector<16xf32>
      %gt3A_1236 = arith.cmpf ogt, %get3A_1235, %scan3A_1192 : vector<16xf32>
      %select_n3A_1237 = arith.select %gt3A_1236, %get3A_1235, %scan3A_1192 : vector<16xi1>, vector<16xf32>
      %broadcast_in_dim3A_1238 = vector.broadcast %add3A_1230 : i32 to vector<16xi32>
      %select_n3A_1239 = arith.select %gt3A_1236, %broadcast_in_dim3A_1238, %scan3A_1200 : vector<16xi1>, vector<16xi32>
      %add3A_1240 = arith.constant 3 : i32
      %add3A_1241 = arith.addi %mul3A_1207, %add3A_1240 : i32
      %mul3A_1242 = arith.constant 16 : i32
      %mul3A_1243 = arith.muli %add3A_1241, %mul3A_1242 : i32
      %get3A_1244 = arith.index_cast %mul3A_1243 : i32 to index
      %get3A_1245 = tpu.vector_load %arg5[%get3A_1244] {strides = array<i32>} : memref<32768xf32, #tpu.memory_space<vmem>>, vector<16xf32>,
      %get3A_1246 = vector.shape_cast %get3A_1245 : vector<16xf32> to vector<16xf32>
      %gt3A_1247 = arith.cmpf ogt, %get3A_1246, %scan3A_1193 : vector<16xf32>
      %select_n3A_1248 = arith.select %gt3A_1247, %get3A_1246, %scan3A_1193 : vector<16xi1>, vector<16xf32>
      %broadcast_in_dim3A_1249 = vector.broadcast %add3A_1241 : i32 to vector<16xi32>
      %select_n3A_1250 = arith.select %gt3A_1247, %broadcast_in_dim3A_1249, %scan3A_1201 : vector<16xi1>, vector<16xi32>
      %add3A_1251 = arith.constant 4 : i32
      %add3A_1252 = arith.addi %mul3A_1207, %add3A_1251 : i32
      %mul3A_1253 = arith.constant 16 : i32
      %mul3A_1254 = arith.muli %add3A_1252, %mul3A_1253 : i32
      %get3A_1255 = arith.index_cast %mul3A_1254 : i32 to index
      %get3A_1256 = tpu.vector_load %arg5[%get3A_1255] {strides = array<i32>} : memref<32768xf32, #tpu.memory_space<vmem>>, vector<16xf32>,
      %get3A_1257 = vector.shape_cast %get3A_1256 : vector<16xf32> to vector<16xf32>
      %gt3A_1258 = arith.cmpf ogt, %get3A_1257, %scan3A_1194 : vector<16xf32>
      %select_n3A_1259 = arith.select %gt3A_1258, %get3A_1257, %scan3A_1194 : vector<16xi1>, vector<16xf32>
      %broadcast_in_dim3A_1260 = vector.broadcast %add3A_1252 : i32 to vector<16xi32>
      %select_n3A_1261 = arith.select %gt3A_1258, %broadcast_in_dim3A_1260, %scan3A_1202 : vector<16xi1>, vector<16xi32>
      %add3A_1262 = arith.constant 5 : i32
      %add3A_1263 = arith.addi %mul3A_1207, %add3A_1262 : i32
      %mul3A_1264 = arith.constant 16 : i32
      %mul3A_1265 = arith.muli %add3A_1263, %mul3A_1264 : i32
      %get3A_1266 = arith.index_cast %mul3A_1265 : i32 to index
      %get3A_1267 = tpu.vector_load %arg5[%get3A_1266] {strides = array<i32>} : memref<32768xf32, #tpu.memory_space<vmem>>, vector<16xf32>,
      %get3A_1268 = vector.shape_cast %get3A_1267 : vector<16xf32> to vector<16xf32>
      %gt3A_1269 = arith.cmpf ogt, %get3A_1268, %scan3A_1195 : vector<16xf32>
      %select_n3A_1270 = arith.select %gt3A_1269, %get3A_1268, %scan3A_1195 : vector<16xi1>, vector<16xf32>
      %broadcast_in_dim3A_1271 = vector.broadcast %add3A_1263 : i32 to vector<16xi32>
      %select_n3A_1272 = arith.select %gt3A_1269, %broadcast_in_dim3A_1271, %scan3A_1203 : vector<16xi1>, vector<16xi32>
      %add3A_1273 = arith.constant 6 : i32
      %add3A_1274 = arith.addi %mul3A_1207, %add3A_1273 : i32
      %mul3A_1275 = arith.constant 16 : i32
      %mul3A_1276 = arith.muli %add3A_1274, %mul3A_1275 : i32
      %get3A_1277 = arith.index_cast %mul3A_1276 : i32 to index
      %get3A_1278 = tpu.vector_load %arg5[%get3A_1277] {strides = array<i32>} : memref<32768xf32, #tpu.memory_space<vmem>>, vector<16xf32>,
      %get3A_1279 = vector.shape_cast %get3A_1278 : vector<16xf32> to vector<16xf32>
      %gt3A_1280 = arith.cmpf ogt, %get3A_1279, %scan3A_1196 : vector<16xf32>
      %select_n3A_1281 = arith.select %gt3A_1280, %get3A_1279, %scan3A_1196 : vector<16xi1>, vector<16xf32>
      %broadcast_in_dim3A_1282 = vector.broadcast %add3A_1274 : i32 to vector<16xi32>
      %select_n3A_1283 = arith.select %gt3A_1280, %broadcast_in_dim3A_1282, %scan3A_1204 : vector<16xi1>, vector<16xi32>
      %add3A_1284 = arith.constant 7 : i32
      %add3A_1285 = arith.addi %mul3A_1207, %add3A_1284 : i32
      %mul3A_1286 = arith.constant 16 : i32
      %mul3A_1287 = arith.muli %add3A_1285, %mul3A_1286 : i32
      %get3A_1288 = arith.index_cast %mul3A_1287 : i32 to index
      %get3A_1289 = tpu.vector_load %arg5[%get3A_1288] {strides = array<i32>} : memref<32768xf32, #tpu.memory_space<vmem>>, vector<16xf32>,
      %get3A_1290 = vector.shape_cast %get3A_1289 : vector<16xf32> to vector<16xf32>
      %gt3A_1291 = arith.cmpf ogt, %get3A_1290, %scan3A_1197 : vector<16xf32>
      %select_n3A_1292 = arith.select %gt3A_1291, %get3A_1290, %scan3A_1197 : vector<16xi1>, vector<16xf32>
      %broadcast_in_dim3A_1293 = vector.broadcast %add3A_1285 : i32 to vector<16xi32>
      %select_n3A_1294 = arith.select %gt3A_1291, %broadcast_in_dim3A_1293, %scan3A_1205 : vector<16xi1>, vector<16xi32>
      scf.yield %select_n3A_1215, %select_n3A_1226, %select_n3A_1237, %select_n3A_1248, %select_n3A_1259, %select_n3A_1270, %select_n3A_1281, %select_n3A_1292, %select_n3A_1217, %select_n3A_1228, %select_n3A_1239, %select_n3A_1250, %select_n3A_1261, %select_n3A_1272, %select_n3A_1283, %select_n3A_1294 : vector<16xf32>, vector<16xf32>, vector<16xf32>, vector<16xf32>, vector<16xf32>, vector<16xf32>, vector<16xf32>, vector<16xf32>, vector<16xi32>, vector<16xi32>, vector<16xi32>, vector<16xi32>, vector<16xi32>, vector<16xi32>, vector<16xi32>, vector<16xi32>
    }
    %scan3A_935 = arith.constant 256 : i32
    %mul3A_936 = arith.constant 16 : i32
    %mul3A_937 = vector.broadcast %mul3A_936 : i32 to vector<16xi32>
    %mul3A_938 = arith.muli %scan3A_934#8, %mul3A_937 : vector<16xi32>
    %add3A_939 = arith.addi %mul3A_938, %iota3A : vector<16xi32>
    %mul3A_940 = arith.constant 16 : i32
    %mul3A_941 = vector.broadcast %mul3A_940 : i32 to vector<16xi32>
    %mul3A_942 = arith.muli %scan3A_934#9, %mul3A_941 : vector<16xi32>
    %add3A_943 = arith.addi %mul3A_942, %iota3A : vector<16xi32>
    %mul3A_944 = arith.constant 16 : i32
    %mul3A_945 = vector.broadcast %mul3A_944 : i32 to vector<16xi32>
    %mul3A_946 = arith.muli %scan3A_934#10, %mul3A_945 : vector<16xi32>
    %add3A_947 = arith.addi %mul3A_946, %iota3A : vector<16xi32>
    %mul3A_948 = arith.constant 16 : i32
    %mul3A_949 = vector.broadcast %mul3A_948 : i32 to vector<16xi32>
    %mul3A_950 = arith.muli %scan3A_934#11, %mul3A_949 : vector<16xi32>
    %add3A_951 = arith.addi %mul3A_950, %iota3A : vector<16xi32>
    %mul3A_952 = arith.constant 16 : i32
    %mul3A_953 = vector.broadcast %mul3A_952 : i32 to vector<16xi32>
    %mul3A_954 = arith.muli %scan3A_934#12, %mul3A_953 : vector<16xi32>
    %add3A_955 = arith.addi %mul3A_954, %iota3A : vector<16xi32>
    %mul3A_956 = arith.constant 16 : i32
    %mul3A_957 = vector.broadcast %mul3A_956 : i32 to vector<16xi32>
    %mul3A_958 = arith.muli %scan3A_934#13, %mul3A_957 : vector<16xi32>
    %add3A_959 = arith.addi %mul3A_958, %iota3A : vector<16xi32>
    %mul3A_960 = arith.constant 16 : i32
    %mul3A_961 = vector.broadcast %mul3A_960 : i32 to vector<16xi32>
    %mul3A_962 = arith.muli %scan3A_934#14, %mul3A_961 : vector<16xi32>
    %add3A_963 = arith.addi %mul3A_962, %iota3A : vector<16xi32>
    %mul3A_964 = arith.constant 16 : i32
    %mul3A_965 = vector.broadcast %mul3A_964 : i32 to vector<16xi32>
    %mul3A_966 = arith.muli %scan3A_934#15, %mul3A_965 : vector<16xi32>
    %add3A_967 = arith.addi %mul3A_966, %iota3A : vector<16xi32>
    %gt3A_968 = arith.cmpf ogt, %scan3A_934#1, %scan3A_934#0 : vector<16xf32>
    %eq3A_969 = arith.cmpf oeq, %scan3A_934#1, %scan3A_934#0 : vector<16xf32>
    %lt3A_970 = arith.cmpi slt, %add3A_943, %add3A_939 : vector<16xi32>
    %and3A_971 = arith.andi %eq3A_969, %lt3A_970 : vector<16xi1>
    %or3A_972 = arith.ori %gt3A_968, %and3A_971 : vector<16xi1>
    %select_n3A_973 = arith.select %or3A_972, %scan3A_934#1, %scan3A_934#0 : vector<16xi1>, vector<16xf32>
    %select_n3A_974 = arith.select %or3A_972, %add3A_943, %add3A_939 : vector<16xi1>, vector<16xi32>
    %gt3A_975 = arith.cmpf ogt, %scan3A_934#3, %scan3A_934#2 : vector<16xf32>
    %eq3A_976 = arith.cmpf oeq, %scan3A_934#3, %scan3A_934#2 : vector<16xf32>
    %lt3A_977 = arith.cmpi slt, %add3A_951, %add3A_947 : vector<16xi32>
    %and3A_978 = arith.andi %eq3A_976, %lt3A_977 : vector<16xi1>
    %or3A_979 = arith.ori %gt3A_975, %and3A_978 : vector<16xi1>
    %select_n3A_980 = arith.select %or3A_979, %scan3A_934#3, %scan3A_934#2 : vector<16xi1>, vector<16xf32>
    %select_n3A_981 = arith.select %or3A_979, %add3A_951, %add3A_947 : vector<16xi1>, vector<16xi32>
    %gt3A_982 = arith.cmpf ogt, %scan3A_934#5, %scan3A_934#4 : vector<16xf32>
    %eq3A_983 = arith.cmpf oeq, %scan3A_934#5, %scan3A_934#4 : vector<16xf32>
    %lt3A_984 = arith.cmpi slt, %add3A_959, %add3A_955 : vector<16xi32>
    %and3A_985 = arith.andi %eq3A_983, %lt3A_984 : vector<16xi1>
    %or3A_986 = arith.ori %gt3A_982, %and3A_985 : vector<16xi1>
    %select_n3A_987 = arith.select %or3A_986, %scan3A_934#5, %scan3A_934#4 : vector<16xi1>, vector<16xf32>
    %select_n3A_988 = arith.select %or3A_986, %add3A_959, %add3A_955 : vector<16xi1>, vector<16xi32>
    %gt3A_989 = arith.cmpf ogt, %scan3A_934#7, %scan3A_934#6 : vector<16xf32>
    %eq3A_990 = arith.cmpf oeq, %scan3A_934#7, %scan3A_934#6 : vector<16xf32>
    %lt3A_991 = arith.cmpi slt, %add3A_967, %add3A_963 : vector<16xi32>
    %and3A_992 = arith.andi %eq3A_990, %lt3A_991 : vector<16xi1>
    %or3A_993 = arith.ori %gt3A_989, %and3A_992 : vector<16xi1>
    %select_n3A_994 = arith.select %or3A_993, %scan3A_934#7, %scan3A_934#6 : vector<16xi1>, vector<16xf32>
    %select_n3A_995 = arith.select %or3A_993, %add3A_967, %add3A_963 : vector<16xi1>, vector<16xi32>
    %gt3A_996 = arith.cmpf ogt, %select_n3A_980, %select_n3A_973 : vector<16xf32>
    %eq3A_997 = arith.cmpf oeq, %select_n3A_980, %select_n3A_973 : vector<16xf32>
    %lt3A_998 = arith.cmpi slt, %select_n3A_981, %select_n3A_974 : vector<16xi32>
    %and3A_999 = arith.andi %eq3A_997, %lt3A_998 : vector<16xi1>
    %or3A_1000 = arith.ori %gt3A_996, %and3A_999 : vector<16xi1>
    %select_n3A_1001 = arith.select %or3A_1000, %select_n3A_980, %select_n3A_973 : vector<16xi1>, vector<16xf32>
    %select_n3A_1002 = arith.select %or3A_1000, %select_n3A_981, %select_n3A_974 : vector<16xi1>, vector<16xi32>
    %gt3A_1003 = arith.cmpf ogt, %select_n3A_994, %select_n3A_987 : vector<16xf32>
    %eq3A_1004 = arith.cmpf oeq, %select_n3A_994, %select_n3A_987 : vector<16xf32>
    %lt3A_1005 = arith.cmpi slt, %select_n3A_995, %select_n3A_988 : vector<16xi32>
    %and3A_1006 = arith.andi %eq3A_1004, %lt3A_1005 : vector<16xi1>
    %or3A_1007 = arith.ori %gt3A_1003, %and3A_1006 : vector<16xi1>
    %select_n3A_1008 = arith.select %or3A_1007, %select_n3A_994, %select_n3A_987 : vector<16xi1>, vector<16xf32>
    %select_n3A_1009 = arith.select %or3A_1007, %select_n3A_995, %select_n3A_988 : vector<16xi1>, vector<16xi32>
    %gt3A_1010 = arith.cmpf ogt, %select_n3A_1008, %select_n3A_1001 : vector<16xf32>
    %eq3A_1011 = arith.cmpf oeq, %select_n3A_1008, %select_n3A_1001 : vector<16xf32>
    %lt3A_1012 = arith.cmpi slt, %select_n3A_1009, %select_n3A_1002 : vector<16xi32>
    %and3A_1013 = arith.andi %eq3A_1011, %lt3A_1012 : vector<16xi1>
    %or3A_1014 = arith.ori %gt3A_1010, %and3A_1013 : vector<16xi1>
    %select_n3A_1015 = arith.select %or3A_1014, %select_n3A_1008, %select_n3A_1001 : vector<16xi1>, vector<16xf32>
    %select_n3A_1016 = arith.select %or3A_1014, %select_n3A_1009, %select_n3A_1002 : vector<16xi1>, vector<16xi32>
    %add3A_1017 = arith.constant 8 : i32
    %add3A_1018 = vector.broadcast %add3A_1017 : i32 to vector<16xi32>
    %add3A_1019 = arith.addi %iota3A, %add3A_1018 : vector<16xi32>
    %and3A_1020 = arith.constant 15 : i32
    %and3A_1021 = vector.broadcast %and3A_1020 : i32 to vector<16xi32>
    %and3A_1022 = arith.andi %add3A_1019, %and3A_1021 : vector<16xi32>
    %lt3A_1023 = arith.constant 0 : i32
    %lt3A_1024 = vector.broadcast %lt3A_1023 : i32 to vector<16xi32>
    %lt3A_1025 = arith.cmpi slt, %and3A_1022, %lt3A_1024 : vector<16xi32>
    %add3A_1026 = arith.constant 16 : i32
    %add3A_1027 = vector.broadcast %add3A_1026 : i32 to vector<16xi32>
    %add3A_1028 = arith.addi %and3A_1022, %add3A_1027 : vector<16xi32>
    %select_n3A_1029 = arith.select %lt3A_1025, %add3A_1028, %and3A_1022 : vector<16xi1>, vector<16xi32>
    %broadcast_in_dim3A_1030 = vector.shape_cast %select_n3A_1029 : vector<16xi32> to vector<16x1xi32>
    %gather3A_1031 = vector.shape_cast %broadcast_in_dim3A_1030 : vector<16x1xi32> to vector<16xi32>
    %gather3A_1032 = tpu.dynamic_gather %select_n3A_1015[%gather3A_1031] in [0] : vector<16xf32>, vector<16xi32> -> vector<16xf32>
    %lt3A_1033 = arith.constant 0 : i32
    %lt3A_1034 = vector.broadcast %lt3A_1033 : i32 to vector<16xi32>
    %lt3A_1035 = arith.cmpi slt, %and3A_1022, %lt3A_1034 : vector<16xi32>
    %add3A_1036 = arith.constant 16 : i32
    %add3A_1037 = vector.broadcast %add3A_1036 : i32 to vector<16xi32>
    %add3A_1038 = arith.addi %and3A_1022, %add3A_1037 : vector<16xi32>
    %select_n3A_1039 = arith.select %lt3A_1035, %add3A_1038, %and3A_1022 : vector<16xi1>, vector<16xi32>
    %broadcast_in_dim3A_1040 = vector.shape_cast %select_n3A_1039 : vector<16xi32> to vector<16x1xi32>
    %gather3A_1041 = vector.shape_cast %broadcast_in_dim3A_1040 : vector<16x1xi32> to vector<16xi32>
    %gather3A_1042 = tpu.dynamic_gather %select_n3A_1016[%gather3A_1041] in [0] : vector<16xi32>, vector<16xi32> -> vector<16xi32>
    %gt3A_1043 = arith.cmpf ogt, %gather3A_1032, %select_n3A_1015 : vector<16xf32>
    %eq3A_1044 = arith.cmpf oeq, %gather3A_1032, %select_n3A_1015 : vector<16xf32>
    %lt3A_1045 = arith.cmpi slt, %gather3A_1042, %select_n3A_1016 : vector<16xi32>
    %and3A_1046 = arith.andi %eq3A_1044, %lt3A_1045 : vector<16xi1>
    %or3A_1047 = arith.ori %gt3A_1043, %and3A_1046 : vector<16xi1>
    %select_n3A_1048 = arith.select %or3A_1047, %gather3A_1032, %select_n3A_1015 : vector<16xi1>, vector<16xf32>
    %select_n3A_1049 = arith.select %or3A_1047, %gather3A_1042, %select_n3A_1016 : vector<16xi1>, vector<16xi32>
    %add3A_1050 = arith.constant 4 : i32
    %add3A_1051 = vector.broadcast %add3A_1050 : i32 to vector<16xi32>
    %add3A_1052 = arith.addi %iota3A, %add3A_1051 : vector<16xi32>
    %and3A_1053 = arith.constant 15 : i32
    %and3A_1054 = vector.broadcast %and3A_1053 : i32 to vector<16xi32>
    %and3A_1055 = arith.andi %add3A_1052, %and3A_1054 : vector<16xi32>
    %lt3A_1056 = arith.constant 0 : i32
    %lt3A_1057 = vector.broadcast %lt3A_1056 : i32 to vector<16xi32>
    %lt3A_1058 = arith.cmpi slt, %and3A_1055, %lt3A_1057 : vector<16xi32>
    %add3A_1059 = arith.constant 16 : i32
    %add3A_1060 = vector.broadcast %add3A_1059 : i32 to vector<16xi32>
    %add3A_1061 = arith.addi %and3A_1055, %add3A_1060 : vector<16xi32>
    %select_n3A_1062 = arith.select %lt3A_1058, %add3A_1061, %and3A_1055 : vector<16xi1>, vector<16xi32>
    %broadcast_in_dim3A_1063 = vector.shape_cast %select_n3A_1062 : vector<16xi32> to vector<16x1xi32>
    %gather3A_1064 = vector.shape_cast %broadcast_in_dim3A_1063 : vector<16x1xi32> to vector<16xi32>
    %gather3A_1065 = tpu.dynamic_gather %select_n3A_1048[%gather3A_1064] in [0] : vector<16xf32>, vector<16xi32> -> vector<16xf32>
    %lt3A_1066 = arith.constant 0 : i32
    %lt3A_1067 = vector.broadcast %lt3A_1066 : i32 to vector<16xi32>
    %lt3A_1068 = arith.cmpi slt, %and3A_1055, %lt3A_1067 : vector<16xi32>
    %add3A_1069 = arith.constant 16 : i32
    %add3A_1070 = vector.broadcast %add3A_1069 : i32 to vector<16xi32>
    %add3A_1071 = arith.addi %and3A_1055, %add3A_1070 : vector<16xi32>
    %select_n3A_1072 = arith.select %lt3A_1068, %add3A_1071, %and3A_1055 : vector<16xi1>, vector<16xi32>
    %broadcast_in_dim3A_1073 = vector.shape_cast %select_n3A_1072 : vector<16xi32> to vector<16x1xi32>
    %gather3A_1074 = vector.shape_cast %broadcast_in_dim3A_1073 : vector<16x1xi32> to vector<16xi32>
    %gather3A_1075 = tpu.dynamic_gather %select_n3A_1049[%gather3A_1074] in [0] : vector<16xi32>, vector<16xi32> -> vector<16xi32>
    %gt3A_1076 = arith.cmpf ogt, %gather3A_1065, %select_n3A_1048 : vector<16xf32>
    %eq3A_1077 = arith.cmpf oeq, %gather3A_1065, %select_n3A_1048 : vector<16xf32>
    %lt3A_1078 = arith.cmpi slt, %gather3A_1075, %select_n3A_1049 : vector<16xi32>
    %and3A_1079 = arith.andi %eq3A_1077, %lt3A_1078 : vector<16xi1>
    %or3A_1080 = arith.ori %gt3A_1076, %and3A_1079 : vector<16xi1>
    %select_n3A_1081 = arith.select %or3A_1080, %gather3A_1065, %select_n3A_1048 : vector<16xi1>, vector<16xf32>
    %select_n3A_1082 = arith.select %or3A_1080, %gather3A_1075, %select_n3A_1049 : vector<16xi1>, vector<16xi32>
    %add3A_1083 = arith.constant 2 : i32
    %add3A_1084 = vector.broadcast %add3A_1083 : i32 to vector<16xi32>
    %add3A_1085 = arith.addi %iota3A, %add3A_1084 : vector<16xi32>
    %and3A_1086 = arith.constant 15 : i32
    %and3A_1087 = vector.broadcast %and3A_1086 : i32 to vector<16xi32>
    %and3A_1088 = arith.andi %add3A_1085, %and3A_1087 : vector<16xi32>
    %lt3A_1089 = arith.constant 0 : i32
    %lt3A_1090 = vector.broadcast %lt3A_1089 : i32 to vector<16xi32>
    %lt3A_1091 = arith.cmpi slt, %and3A_1088, %lt3A_1090 : vector<16xi32>
    %add3A_1092 = arith.constant 16 : i32
    %add3A_1093 = vector.broadcast %add3A_1092 : i32 to vector<16xi32>
    %add3A_1094 = arith.addi %and3A_1088, %add3A_1093 : vector<16xi32>
    %select_n3A_1095 = arith.select %lt3A_1091, %add3A_1094, %and3A_1088 : vector<16xi1>, vector<16xi32>
    %broadcast_in_dim3A_1096 = vector.shape_cast %select_n3A_1095 : vector<16xi32> to vector<16x1xi32>
    %gather3A_1097 = vector.shape_cast %broadcast_in_dim3A_1096 : vector<16x1xi32> to vector<16xi32>
    %gather3A_1098 = tpu.dynamic_gather %select_n3A_1081[%gather3A_1097] in [0] : vector<16xf32>, vector<16xi32> -> vector<16xf32>
    %lt3A_1099 = arith.constant 0 : i32
    %lt3A_1100 = vector.broadcast %lt3A_1099 : i32 to vector<16xi32>
    %lt3A_1101 = arith.cmpi slt, %and3A_1088, %lt3A_1100 : vector<16xi32>
    %add3A_1102 = arith.constant 16 : i32
    %add3A_1103 = vector.broadcast %add3A_1102 : i32 to vector<16xi32>
    %add3A_1104 = arith.addi %and3A_1088, %add3A_1103 : vector<16xi32>
    %select_n3A_1105 = arith.select %lt3A_1101, %add3A_1104, %and3A_1088 : vector<16xi1>, vector<16xi32>
    %broadcast_in_dim3A_1106 = vector.shape_cast %select_n3A_1105 : vector<16xi32> to vector<16x1xi32>
    %gather3A_1107 = vector.shape_cast %broadcast_in_dim3A_1106 : vector<16x1xi32> to vector<16xi32>
    %gather3A_1108 = tpu.dynamic_gather %select_n3A_1082[%gather3A_1107] in [0] : vector<16xi32>, vector<16xi32> -> vector<16xi32>
    %gt3A_1109 = arith.cmpf ogt, %gather3A_1098, %select_n3A_1081 : vector<16xf32>
    %eq3A_1110 = arith.cmpf oeq, %gather3A_1098, %select_n3A_1081 : vector<16xf32>
    %lt3A_1111 = arith.cmpi slt, %gather3A_1108, %select_n3A_1082 : vector<16xi32>
    %and3A_1112 = arith.andi %eq3A_1110, %lt3A_1111 : vector<16xi1>
    %or3A_1113 = arith.ori %gt3A_1109, %and3A_1112 : vector<16xi1>
    %select_n3A_1114 = arith.select %or3A_1113, %gather3A_1098, %select_n3A_1081 : vector<16xi1>, vector<16xf32>
    %select_n3A_1115 = arith.select %or3A_1113, %gather3A_1108, %select_n3A_1082 : vector<16xi1>, vector<16xi32>
    %add3A_1116 = arith.constant 1 : i32
    %add3A_1117 = vector.broadcast %add3A_1116 : i32 to vector<16xi32>
    %add3A_1118 = arith.addi %iota3A, %add3A_1117 : vector<16xi32>
    %and3A_1119 = arith.constant 15 : i32
    %and3A_1120 = vector.broadcast %and3A_1119 : i32 to vector<16xi32>
    %and3A_1121 = arith.andi %add3A_1118, %and3A_1120 : vector<16xi32>
    %lt3A_1122 = arith.constant 0 : i32
    %lt3A_1123 = vector.broadcast %lt3A_1122 : i32 to vector<16xi32>
    %lt3A_1124 = arith.cmpi slt, %and3A_1121, %lt3A_1123 : vector<16xi32>
    %add3A_1125 = arith.constant 16 : i32
    %add3A_1126 = vector.broadcast %add3A_1125 : i32 to vector<16xi32>
    %add3A_1127 = arith.addi %and3A_1121, %add3A_1126 : vector<16xi32>
    %select_n3A_1128 = arith.select %lt3A_1124, %add3A_1127, %and3A_1121 : vector<16xi1>, vector<16xi32>
    %broadcast_in_dim3A_1129 = vector.shape_cast %select_n3A_1128 : vector<16xi32> to vector<16x1xi32>
    %gather3A_1130 = vector.shape_cast %broadcast_in_dim3A_1129 : vector<16x1xi32> to vector<16xi32>
    %gather3A_1131 = tpu.dynamic_gather %select_n3A_1114[%gather3A_1130] in [0] : vector<16xf32>, vector<16xi32> -> vector<16xf32>
    %lt3A_1132 = arith.constant 0 : i32
    %lt3A_1133 = vector.broadcast %lt3A_1132 : i32 to vector<16xi32>
    %lt3A_1134 = arith.cmpi slt, %and3A_1121, %lt3A_1133 : vector<16xi32>
    %add3A_1135 = arith.constant 16 : i32
    %add3A_1136 = vector.broadcast %add3A_1135 : i32 to vector<16xi32>
    %add3A_1137 = arith.addi %and3A_1121, %add3A_1136 : vector<16xi32>
    %select_n3A_1138 = arith.select %lt3A_1134, %add3A_1137, %and3A_1121 : vector<16xi1>, vector<16xi32>
    %broadcast_in_dim3A_1139 = vector.shape_cast %select_n3A_1138 : vector<16xi32> to vector<16x1xi32>
    %gather3A_1140 = vector.shape_cast %broadcast_in_dim3A_1139 : vector<16x1xi32> to vector<16xi32>
    %gather3A_1141 = tpu.dynamic_gather %select_n3A_1115[%gather3A_1140] in [0] : vector<16xi32>, vector<16xi32> -> vector<16xi32>
    %gt3A_1142 = arith.cmpf ogt, %gather3A_1131, %select_n3A_1114 : vector<16xf32>
    %eq3A_1143 = arith.cmpf oeq, %gather3A_1131, %select_n3A_1114 : vector<16xf32>
    %lt3A_1144 = arith.cmpi slt, %gather3A_1141, %select_n3A_1115 : vector<16xi32>
    %and3A_1145 = arith.andi %eq3A_1143, %lt3A_1144 : vector<16xi1>
    %or3A_1146 = arith.ori %gt3A_1142, %and3A_1145 : vector<16xi1>
    %select_n3A_1147 = arith.select %or3A_1146, %gather3A_1131, %select_n3A_1114 : vector<16xi1>, vector<16xf32>
    %select_n3A_1148 = arith.select %or3A_1146, %gather3A_1141, %select_n3A_1115 : vector<16xi1>, vector<16xi32>
    %slice3A_1149 = vector.extract_strided_slice %select_n3A_1148 {offsets = [0], sizes = [1], strides = [1]} : vector<16xi32> to vector<1xi32>
    %squeeze3A_1150 = vector.extract %slice3A_1149[0] : i32 from vector<1xi32>
    %and3A_1151 = arith.constant -16 : i32
    %and3A_1152 = arith.andi %squeeze3A_1150, %and3A_1151 : i32
    %sub3A_1153 = arith.subi %squeeze3A_1150, %and3A_1152 : i32
    %eq3A_1154 = vector.broadcast %sub3A_1153 : i32 to vector<16xi32>
    %eq3A_1155 = arith.cmpi eq, %iota3A, %eq3A_1154 : vector<16xi32>
    %jit3A_1156 = arith.constant 1.000000e+00 : f32
    %jit3A_1157 = arith.constant 0.000000e+00 : f32
    %broadcast_in_dim3A_1158 = vector.broadcast %jit3A_1156 : f32 to vector<16xf32>
    %broadcast_in_dim3A_1159 = vector.broadcast %jit3A_1157 : f32 to vector<16xf32>
    %select_n3A_1160 = arith.select %eq3A_1155, %broadcast_in_dim3A_1158, %broadcast_in_dim3A_1159 : vector<16xi1>, vector<16xf32>
    %dma_wait3A_1161 = arith.constant 0 : i32
    %dma_wait3A_1162 = tpu.memref_slice %arg3[%add3A_885, %dma_wait3A_1161] : memref<128x32768xf32, #tpu.memory_space<hbm>> -> memref<1x32768xf32, #tpu.memory_space<hbm>>
    %dma_wait3A_1163 = tpu.memref_squeeze %dma_wait3A_1162 : memref<1x32768xf32, #tpu.memory_space<hbm>> -> memref<32768xf32, #tpu.memory_space<hbm>>
    %dma_wait3A_1164 = arith.constant 0 : i32
    %dma_wait3A_1165 = tpu.memref_slice %arg3[%add3A_885, %dma_wait3A_1164] : memref<128x32768xf32, #tpu.memory_space<hbm>> -> memref<1x32768xf32, #tpu.memory_space<hbm>>
    %dma_wait3A_1166 = tpu.memref_squeeze %dma_wait3A_1165 : memref<1x32768xf32, #tpu.memory_space<hbm>> -> memref<32768xf32, #tpu.memory_space<hbm>>
    tpu.wait_dma2 semaphore(%arg9 : memref<!tpu.dma_semaphore, #tpu.memory_space<semaphore_mem>>) src(%arg6 : memref<32768xf32, #tpu.memory_space<vmem>>) dst(%dma_wait3A_1166 : memref<32768xf32, #tpu.memory_space<hbm>>)
    %swap3A_1167 = arith.index_cast %and3A_861 : i32 to index
    %swap3A_1168 = tpu.vector_load %arg6[%swap3A_1167] {strides = array<i32>} : memref<32768xf32, #tpu.memory_space<vmem>>, vector<16xf32>,
    %swap3A_1169 = vector.shape_cast %swap3A_1168 : vector<16xf32> to vector<16xf32>
    %swap3A_1170 = vector.shape_cast %broadcast_in_dim3A_3 : vector<16xf32> to vector<16xf32>
    tpu.vector_store %arg6[%swap3A_1167], %swap3A_1170 {strides = array<i32>} : memref<32768xf32, #tpu.memory_space<vmem>>, vector<16xf32>,
    %swap3A_1171 = arith.index_cast %and3A_1152 : i32 to index
    %swap3A_1172 = tpu.vector_load %arg6[%swap3A_1171] {strides = array<i32>} : memref<32768xf32, #tpu.memory_space<vmem>>, vector<16xf32>,
    %swap3A_1173 = vector.shape_cast %swap3A_1172 : vector<16xf32> to vector<16xf32>
    %swap3A_1174 = vector.shape_cast %select_n3A_1160 : vector<16xf32> to vector<16xf32>
    tpu.vector_store %arg6[%swap3A_1171], %swap3A_1174 {strides = array<i32>} : memref<32768xf32, #tpu.memory_space<vmem>>, vector<16xf32>,
    %add3A_1175 = arith.constant 3 : i32
    %add3A_1176 = arith.addi %mul3A_2, %add3A_1175 : i32
    %dma_start3A_1177 = arith.constant 0 : i32
    %dma_start3A_1178 = tpu.memref_slice %arg3[%add3A_1176, %dma_start3A_1177] : memref<128x32768xf32, #tpu.memory_space<hbm>> -> memref<1x32768xf32, #tpu.memory_space<hbm>>
    %dma_start3A_1179 = tpu.memref_squeeze %dma_start3A_1178 : memref<1x32768xf32, #tpu.memory_space<hbm>> -> memref<32768xf32, #tpu.memory_space<hbm>>
    %dma_start3A_1180 = arith.constant 0 : i32
    %dma_start3A_1181 = tpu.memref_slice %arg3[%add3A_1176, %dma_start3A_1180] : memref<128x32768xf32, #tpu.memory_space<hbm>> -> memref<1x32768xf32, #tpu.memory_space<hbm>>
    %dma_start3A_1182 = tpu.memref_squeeze %dma_start3A_1181 : memref<1x32768xf32, #tpu.memory_space<hbm>> -> memref<32768xf32, #tpu.memory_space<hbm>>
    tpu.enqueue_dma source(%arg6 : memref<32768xf32, #tpu.memory_space<vmem>>) target(%dma_start3A_1182 : memref<32768xf32, #tpu.memory_space<hbm>>) target_semaphore(%arg9 : memref<!tpu.dma_semaphore, #tpu.memory_space<semaphore_mem>>)
    %dma_wait3A_1183 = arith.constant 0 : i32
    %dma_wait3A_1184 = tpu.memref_slice %arg3[%add3A_1176, %dma_wait3A_1183] : memref<128x32768xf32, #tpu.memory_space<hbm>> -> memref<1x32768xf32, #tpu.memory_space<hbm>>
    %dma_wait3A_1185 = tpu.memref_squeeze %dma_wait3A_1184 : memref<1x32768xf32, #tpu.memory_space<hbm>> -> memref<32768xf32, #tpu.memory_space<hbm>>
    %dma_wait3A_1186 = arith.constant 0 : i32
    %dma_wait3A_1187 = tpu.memref_slice %arg3[%add3A_1176, %dma_wait3A_1186] : memref<128x32768xf32, #tpu.memory_space<hbm>> -> memref<1x32768xf32, #tpu.memory_space<hbm>>
    %dma_wait3A_1188 = tpu.memref_squeeze %dma_wait3A_1187 : memref<1x32768xf32, #tpu.memory_space<hbm>> -> memref<32768xf32, #tpu.memory_space<hbm>>
    tpu.wait_dma2 semaphore(%arg9 : memref<!tpu.dma_semaphore, #tpu.memory_space<semaphore_mem>>) src(%arg6 : memref<32768xf32, #tpu.memory_space<vmem>>) dst(%dma_wait3A_1188 : memref<32768xf32, #tpu.memory_space<hbm>>)
    return
  }
}

</mosaic_0001>

<sc_bundles>
// kernel: kernel.3.cloned.1.call-start
scs
__scs_entry_jumppad:
0x0: {  	(pc) =	sbr.rel $0x88, $3  }
0x1: {  	(tag) =	ssettag $0x0;
	lr =	simm.s32 $0x1  }
0x2: {  	[smem:$0x3FA0] =	sst lr;
	_ =	strace $0xD0000000  }
0x3: {  	_ = 	snop  }
0x4: {  	_ = 	snop  }
0x5: {  	_ = 	snop  }
0x6: {  	_ = 	snop  }
0x7: {  	_ = 	snop  }
__scs_overlays_trampoline_lowered:
0x8: {  	[smem:$0x3FAF] =	sst s0  }
0x9: {  	[smem:$0x3FB0] =	sst s1  }
0xa: {  	[smem:$0x3FB1] =	sst s2  }
0xb: {  	[smem:$0x3FB2] =	sst s3  }
0xc: {  	[smem:$0x3FB3] =	sst s4  }
0xd: {  	[smem:$0x3FB4] =	sst s5  }
0xe: {  	[smem:$0x3FB5] =	sst s6  }
0xf: {  	[smem:$0x3FB6] =	sst s7  }
0x10: {  	[smem:$0x3FB7] =	sst s8  }
0x11: {  	[smem:$0x3FB8] =	sst s9;
	s0 =	simm.s32 @!p0 $0x0  }
0x12: {  	s1 =	sld [smem:$0x3F9E];
	s0 =	simm.s32 @p0 $0x1  }
0x13: {  	[smem:$0x3FB9] =	sst s0;
	s0 =	simm.s32 @!p1 $0x0  }
0x14: {  	s2 =	sld [smem:$0x3F9D];
	s0 =	simm.s32 @p1 $0x1  }
0x15: {  	[smem:$0x3FBA] =	sst s0;
	s0 =	simm.s32 @!p2 $0x0  }
0x16: {  	s3 =	sld [smem:$0x3FDB];
	s0 =	simm.s32 @p2 $0x1  }
0x17: {  	s4 =	simm.s32 $0x1BF5;
	[smem:$0x3FBC] =	sst s0  }
0x18: {  	s0 =	sld [smem:$0x3F9F];
	_ =	swait.ge [sflag:s4], $0x0  }
0x19: {  	s7 =	sld [smem:$0x3FA0]  }
0x1a: {  	s8 =	sadd.s32 $0xFFFFE003, lr  }
0x1b: {  	s9 =	sadd.s32 $0xFFFFFEF7, lr;
	s5 =	simm.s32 $0xFFFFFFFF;
	p2 =	slt.u32 s8, $0xFFFFF086  }
0x1c: {  	p1 =	slt.u32 s9, $0xF7A;
	s5 =	simm.s32 @!p2 $0x0  }
0x1d: {  	s5 =	simm.s32 @p1 $0x1;
	p0 =	seq.s32 s7, s2  }
0x1e: {  	s7 =	smul.u32 @!p0 $0xF7A, s2;
	p2 =	seq.s32 @!p0 s5, $0x0  }
0x1f: {  	s9 =	smul.u32 $0xF7A, s1;
	s8 =	simm.s32 @!p0 $0x1BF5;
	p2 =	por !p2, p0  }
0x20: {  	[sflag:s8] =	ssyncset.s32 @!p0 $0xFFFFF086;
	s6 =	sadd.s32 @!p0 s3, s7;
	s7 =	simm.s32 @!p0 $0x108  }
0x21: {  	s3 =	sadd.s32 s3, s9;
	s6 =	sadd.s32 @!p0 $0x88, s6;
	s7 =	simm.s32 @p2 $0x1082  }
0x22: {  	[simem:s7], [sflag:s8] =	dma.local @!p0 [hbm:s6], $0xF7A  }
0x23: {  	s9 =	sor.u32 $0xD0000000, s2;
	s6 =	simm.s32 $0x108;
	_ =	swait.ge @!p0 [sflag:s8], $0x0  }
0x24: {  	s3 =	sadd.s32 $0x88, s3;
	s6 =	simm.s32 @!p1 $0x1082;
	[sflag:s4] =	ssyncset.s32 $0xFFFFF086  }
0x25: {  	[simem:s6], [sflag:s4] =	dma.local [hbm:s3], $0xF7A  }
0x26: {  	[smem:$0x3FA0] =	sst s1;
	(tag) =	ssettag s2;
	_ =	strace s9  }
0x27: {  	s1 =	sld [smem:$0x3FB0]  }
0x28: {  	s2 =	sld [smem:$0x3FB1]  }
0x29: {  	s4 =	sld [smem:$0x3FB3]  }
0x2a: {  	p0 =	seq.s32 s5, $0x0;
	s5 =	sld [smem:$0x3FB4]  }
0x2b: {  	s6 =	sld [smem:$0x3FB5]  }
0x2c: {  	s7 =	sld [smem:$0x3FB6]  }
0x2d: {  	s3 =	simm.s32 $0x108;
	s8 =	sld [smem:$0x3FB7]  }
0x2e: {  	s3 =	simm.s32 @!p0 $0x1082;
	s9 =	sld [smem:$0x3FB8]  }
0x2f: {  	lr =	sadd.s32 s0, s3;
	s0 =	sld [smem:$0x3FAF]  }
0x30: {  	s3 =	sld [smem:$0x3FB2]  }
0x31: {  	[smem:$0x3FBB] =	sst s10  }
0x32: {  	s10 =	sld [smem:$0x3FB9];
	_ =	sdelay $0x3  }
0x33: {  	p0 =	seq.s32 s10, $0x1;
	s10 =	sld [smem:$0x3FBB];
	_ =	sdelay $0x3  }
0x34: {  	[smem:$0x3FBB] =	sst s10  }
0x35: {  	s10 =	sld [smem:$0x3FBA];
	_ =	sdelay $0x3  }
0x36: {  	p1 =	seq.s32 s10, $0x1;
	s10 =	sld [smem:$0x3FBB];
	_ =	sdelay $0x3  }
0x37: {  	[smem:$0x3FBB] =	sst s10  }
0x38: {  	s10 =	sld [smem:$0x3FBC]  }
0x39: {  	_ = 	snop;
	(pc) =	sbr.ind lr, $3  }
0x3a: {  	_ = 	snop  }
0x3b: {  	_ = 	snop  }
0x3c: {  	p2 =	seq.s32 s10, $0x1;
	s10 =	sld [smem:$0x3FBB]  }
0x3d: {  	_ =	shalt  }
0x3e: {  	_ =	shalt  }
0x3f: {  	_ =	shalt  }
0x40: {  	_ =	shalt  }
0x41: {  	_ =	shalt  }
0x42: {  	_ =	shalt  }
0x43: {  	_ =	shalt  }
0x44: {  	_ =	shalt  }
0x45: {  	_ =	shalt  }
0x46: {  	_ =	shalt  }
0x47: {  	_ =	shalt  }
0x48: {  	_ =	shalt  }
0x49: {  	_ =	shalt  }
0x4a: {  	_ =	shalt  }
0x4b: {  	_ =	shalt  }
0x4c: {  	_ =	shalt  }
0x4d: {  	_ =	shalt  }
0x4e: {  	_ =	shalt  }
0x4f: {  	_ =	shalt  }
0x50: {  	_ =	shalt  }
0x51: {  	_ =	shalt  }
0x52: {  	_ =	shalt  }
0x53: {  	_ =	shalt  }
0x54: {  	_ =	shalt  }
0x55: {  	_ =	shalt  }
0x56: {  	_ =	shalt  }
0x57: {  	_ =	shalt  }
0x58: {  	_ =	shalt  }
0x59: {  	_ =	shalt  }
0x5a: {  	_ =	shalt  }
0x5b: {  	_ =	shalt  }
0x5c: {  	_ =	shalt  }
0x5d: {  	_ =	shalt  }
0x5e: {  	_ =	shalt  }
0x5f: {  	_ =	shalt  }
0x60: {  	_ =	shalt  }
0x61: {  	_ =	shalt  }
0x62: {  	_ =	shalt  }
0x63: {  	_ =	shalt  }
0x64: {  	_ =	shalt  }
0x65: {  	_ =	shalt  }
0x66: {  	_ =	shalt  }
0x67: {  	_ =	shalt  }
0x68: {  	_ =	shalt  }
0x69: {  	_ =	shalt  }
0x6a: {  	_ =	shalt  }
0x6b: {  	_ =	shalt  }
0x6c: {  	_ =	shalt  }
0x6d: {  	_ =	shalt  }
0x6e: {  	_ =	shalt  }
0x6f: {  	_ =	shalt  }
0x70: {  	_ =	shalt  }
0x71: {  	_ =	shalt  }
0x72: {  	_ =	shalt  }
0x73: {  	_ =	shalt  }
0x74: {  	_ =	shalt  }
0x75: {  	_ =	shalt  }
0x76: {  	_ =	shalt  }
0x77: {  	_ =	shalt  }
0x78: {  	_ =	shalt  }
0x79: {  	_ =	shalt  }
0x7a: {  	_ =	shalt  }
0x7b: {  	_ =	shalt  }
0x7c: {  	_ =	shalt  }
0x7d: {  	_ =	shalt  }
0x7e: {  	_ =	shalt  }
0x7f: {  	_ =	shalt  }
0x80: {  	_ =	shalt  }
0x81: {  	_ =	shalt  }
0x82: {  	_ =	shalt  }
0x83: {  	_ =	shalt  }
0x84: {  	_ =	shalt  }
0x85: {  	_ =	shalt  }
0x86: {  	_ =	shalt  }
0x87: {  	_ =	shalt  }
.Lfunc_end0:
.L_simem_size_0:
called_computation_lowered:
.L_overlay_start_0:
0x88: {  	s2 =	sld [smem:$0x3FD9]  }
0x89: {  	s3 =	sld [smem:$0x3FFE];
	_ =	sdelay $0x1  }
0x8a: {  	s1 =	srdreg.scid  }
0x8b: {  	s0 =	sand.u32 $0x1, s1  }
0x8c: {  	s18 =	sshll.u32 s0, $0xA;
	s2 =	sadd.s32 s3, s2  }
0x8d: {  	s2 =	sadd.s32 s2, s18  }
0x8e: {  	[smem:$0x3FC7] =	sst s2  }
0x8f: {  	_ = 	snop  }
0x90: {  	s2 =	sld [smem:$0x3FC9]  }
0x91: {  	s19 =	sld [smem:$0x3FD0];
	(tm) =	ssettm $0x1  }
0x92: {  	s4 =	sld [smem:$0x3FFB];
	_ =	sdelay $0x3  }
0x93: {  	_ =	strace s4  }
0x94: {  	s4 =	sld [smem:$0x3FFC];
	_ =	sdelay $0x3  }
0x95: {  	_ =	strace s4  }
0x96: {  	s4 =	sld [smem:$0x3FFD];
	_ =	sdelay $0x3  }
0x97: {  	_ =	strace s4  }
0x98: {  	_ =	strace $0x8FFFFFFF  }
0x99: {  	s20 =	sld [smem:$0x3FDB];
	_ =	sdelay $0x1  }
0x9a: {  	s5 =	simm.s32 $_scs_section_size  }
0x9b: {  	s6 =	simm.s32 $_size__tile_overlayer_lowered;
	s7 =	simm.s32 $_tile_overlayer_lowered  }
0x9c: {  	s23 =	simm.s32 $0x1BFF;
	s22 =	sshll.u32 s7, $0x1;
	s4 =	sadd.s32 s5, s20  }
0x9d: {  	s8 =	simm.s32 $0x0;
	s21 =	sshll.u32 s6, $0x1;
	s6 =	sadd.s32 s22, s4  }
0x9e: {  	[timem:s8], [sflag:s23] =	dma.local [hbm:s6], s21  }
0x9f: {  	_ =	swait.ge [sflag:s23], s21  }
0xa0: {  	s5 =	ssub.s32 $0x0, s21;
	[sflag:s23] =	ssyncset.done $0x0  }
0xa1: {  	[sflag:s23] =	ssyncadd.s32 s5;
	_ =	sdelay $0x1  }
0xa2: {  	s24 =	simm.s32 $0x1B8B  }
0xa3: {  	_ =	swait.ge [sflag:s24], $0x1  }
0xa4: {  	[sflag:s24] =	ssyncset.done $0x0  }
0xa5: {  	s25 =	simm.s32 $0x1B8E;
	[sflag:s24] =	ssyncadd.s32 $0xFFFFFFFF  }
0xa6: {  	s26 =	simm.s32 $execute0_lowered;
	[smem:$0x3FD2] =	sst s25  }
0xa7: {  	s5 =	sshll.u32 s26, $0x1;
	_ =	strace $0x80000046;
	[dreg:$0x1] =	wrdreg $0xFFFFFFFF  }
0xa8: {  	s28 =	simm.s32 $_size_execute0_lowered;
	s4 =	sadd.s32 s4, s5;
	[dreg:$0x0] =	wrdreg $0x0  }
0xa9: {  	s5 =	sshll.u32 s28, $0x1;
	[dreg:$0x2] =	wrdreg s4  }
0xaa: {  	[dreg:$0x3] =	wrdreg s5  }
0xab: {  	[dreg:$0x4] =	wrdreg $0xC0  }
0xac: {  	_ =	task [dreg:s8], $0x5FFFF  }
0xad: {  	[dreg:$0x1] =	wrdreg $0xFFFFFFFF  }
0xae: {  	[dreg:$0x0] =	wrdreg $0x60  }
0xaf: {  	[dreg:$0x2] =	wrdreg s2  }
0xb0: {  	[dreg:$0x3] =	wrdreg s19  }
0xb1: {  	[dreg:$0x4] =	wrdreg $0x9  }
0xb2: {  	_ =	task.clear_ibuf [dreg:s8], $0x5FFFF;
	_ =	strace $0x90000046  }
0xb3: {  	s29 =	simm.s32 $0x9;
	_ =	strace $0x80000048  }
0xb4: {  	_ =	swait.ge [sflag:s29], $0x1  }
0xb5: {  	[sflag:s29] =	ssyncadd.s32 $0xFFFFFFFF  }
0xb6: {  	_ =	strace $0x90000048  }
0xb7: {  	_ =	sfence  }
0xb8: {  	s30 =	sld [smem:$0x0];
	_ =	sdelay $0x2  }
0xb9: {  	s31 =	sshll.u32 s1, $0xD;
	s1 =	sshrl.u32 s1, $0x2  }
0xba: {  	s3 =	sand.u32 $0x4000, s31;
	s1 =	sadd.s32 s1, s30  }
0xbb: {  	s0 =	sor.u32 s3, s0;
	s1 =	sshll.u32 s1, $0x11  }
0xbc: {  	s0 =	sor.u32 s1, s0  }
0xbd: {  	s0 =	sadd.s32 $0x8F2B, s0  }
0xbe: {  	[sflag:s0] =	ssyncadd.remote.s32 $0x1  }
0xbf: {  	_ =	sfence.sel $0xFFFF  }
0xc0: {  	[dreg:$0x0] =	wrdreg $0xFFFFFFFF;
	(pc) =	sbr.abs _section_cstart, $3  }
0xc1: {  	[dreg:$0x1] =	wrdreg $0xFFFFFFFF  }
0xc2: {  	_ =	task.clear_ibuf [dreg:s8], $0x2FFFF;
	_ =	strace $0x9FFFFFFF  }
0xc3: {  	(tm) =	ssettm $0x7FFFFFFF  }
tec
execute0_lowered:
.L_overlay_start_1:
0x0: {  	(tag) =	ssettag $0x1  }
0x1: {  	s7 =	rddreg [dreg:$0x0]  }
0x2: {  	s10 =	rddreg [dreg:$0x1];
	v0 =	vimm.s32 $0xFEDCBA98;
	v1 =	vimm.s32 $0x76543210;
	v2 =	vimm.s32 $0x3210FEDC  }
0x3: {  	s0 =	rddreg [dreg:$0x2];
	s1 =	simm.s32 $0x0;
	s3 =	srdreg.scid;
	v3 =	vimm.s32 $0xBA987654;
	v4 =	vimm.s32 $0x10FEDCBA;
	v5 =	vimm.s32 $0x98765432  }
0x4: {  	s2 =	stileid.u32;
	v6 =	vimm.s32 $0xFEDCBA9;
	v7 =	vimm.s32 $0x87654321;
	s14 =	simm.s32 $0x8000;
	s15 =	simm.s32 $0x1  }
0x5: {  	s16 =	simm.s32 $0x10000;
	s17 =	simm.s32 $0x2;
	s18 =	simm.s32 $0x3;
	v0 =	vunpack.c.l.s4.s8 v0;
	v1 =	vunpack.c.l.s4.s8 v1;
	v2 =	vunpack.c.l.s4.s8 v2  }
0x6: {  	s19 =	simm.s32 $0x0;
	[smem:$0x7FF] =	sst s1;
	s3 =	sand.u32 $0x1, s3;
	v3 =	vunpack.c.l.s4.s8 v3;
	v4 =	vunpack.c.l.s4.s8 v4;
	v5 =	vunpack.c.l.s4.s8 v5  }
0x7: {  	s5 =	sshll.u32 s2, $0xF;
	v6 =	vunpack.c.l.s4.s8 v6;
	v7 =	vunpack.c.l.s4.s8 v7;
	s4 =	ssub.s32 $0x2, s3;
	s3 =	sshll.u32 s3, $0x6;
	v0 =	vunpack.c.0.s8.s32 v0  }
0x8: {  	_ =	strace $0x80000047;
	s6 =	sshrl.u32 s4, $0x1;
	s8 =	sor.u32 s3, s5;
	v2 =	vunpack.c.0.s8.s32 v2;
	v3 =	vunpack.c.0.s8.s32 v3;
	v4 =	vunpack.c.0.s8.s32 v4  }
0x9: {  	v5 =	vunpack.c.0.s8.s32 v5;
	v6 =	vunpack.c.0.s8.s32 v6;
	v7 =	vunpack.c.0.s8.s32 v7;
	s11 =	ssub.s32 s4, s6;
	s3 =	sadd.s32 s7, s8;
	s9 =	sor.u32 $0x10, s8  }
0xa: {  	s12 =	sor.u32 $0x20, s8;
	s13 =	sor.u32 $0x30, s8;
	s6 =	sadd.s32 s10, s8;
	v3 =	vcombine.low v3, v2;
	v2 =	vunpack.c.0.s8.s32 v1  }
0xb: {  	s4 =	sadd.s32 s7, s9;
	s5 =	sadd.s32 s7, s12;
	s7 =	sadd.s32 s7, s13;
	v8 =	vand.u32 $0xF, v0;
	v4 =	vcombine.low v5, v4;
	v5 =	vcombine.low v7, v6  }
0xc: {  	s8 =	sadd.s32 s10, s9;
	s9 =	sadd.s32 s10, s12;
	s10 =	sadd.s32 s10, s13;
	v0 =	vimm.f32 $0.0e+00;
	v1 =	vlaneseq.u32;
	v2 =	vcombine.low v8, v2  }
0xd: {  	s11 =	smax.u32 s11, $0x1;
	s12 =	simm.s32 $0x80;
	s13 =	simm.s32 $0x400;
	v3 =	vand.u32 $0xF, v3;
	v4 =	vand.u32 $0xF, v4;
	v5 =	vand.u32 $0xF, v5  }
.LBB2_1:
0xe: {  	[tilespmem:s1], [sflag:$0x1] =	stream.strided.gather [hbm4b:s3+s12], $0x8000, s13, s12, $0x38;
	[tilespmem:$0x18000] =	vst v63  }
0xf: {  	s20 =	simm.s32 $0x40;
	s21 =	simm.s32 $0x0  }
0x10: {  	[tilespmem:s14], [sflag:$0x2] =	stream.strided.gather [hbm4b:s4+s12], $0x8000, s13, s12, $0x38;
	[tilespmem:$0x18000] =	vst v63  }
.LBB2_2:
0x11: {  	p0 =	sne.s32 s20, $0x1FFC0;
	[tilespmem:s21+$0x10000] =	vst v0;
	s21 =	smov.u32 s20;
	s20 =	sadd.s32 $0x40, s20  }
.Ltmp0:
0x12: {  	(pc) =	sbr.rel @p0 .LBB2_2-.Ltmp0, $2  }
0x13: {  	_ =	sdelay $0x2  }
0x14: {  	s21 =	sshra.s32 s21, $0x2  }
0x15: {  	[tilespmem:s21+$0x10000] =	vst v0  }
0x16: {  	_ =	swait.ge [sflag:s15], $0x8000  }
0x17: {  	[sflag:s15] =	ssyncset.done $0x0  }
0x18: {  	s20 =	simm.s32 $0x40;
	[sflag:s15] =	ssyncadd.s32 $0xFFFF8000  }
0x19: {  	v8 =	vld [tilespmem:s20+$0xFFFFFFC0]  }
0x1a: {  	v9 =	vld [tilespmem:s20+$0xFFFFFFD0]  }
0x1b: {  	v12 =	vld [tilespmem:s20+$0xFFFFFFE0]  }
0x1c: {  	v13 =	vld [tilespmem:s20+$0xFFFFFFF0]  }
0x1d: {  	v14 =	vld [tilespmem:s20+$0x0]  }
0x1e: {  	v16 =	vld [tilespmem:s20+$0x10]  }
0x1f: {  	v17 =	vld [tilespmem:s20+$0x20];
	_ =	sdelay $0x1  }
0x20: {  	v18 =	vimm.f32 $-Inf;
	s22 =	simm.s32 $0xC0;
	v19 =	vld [tilespmem:s20+$0x30]  }
0x21: {  	v6 =	vimm.s32 $0x0;
	v27 =	vld [tilespmem:s22+$0xFFFFFFC0];
	vm0 =	vgt.f32 v8, v18;
	vm1 =	vgt.f32 v9, v18  }
0x22: {  	v7 =	vld [tilespmem:s22+$0xFFFFFFD0];
	vm2 =	vgt.f32 v12, v18;
	vm3 =	vgt.f32 v13, v18;
	vm4 =	vgt.f32 v14, v18  }
0x23: {  	s29 =	simm.s32 $0x0;
	v29 =	vld [tilespmem:s22+$0xFFFFFFE0];
	vm5 =	vgt.f32 v16, v18;
	vm6 =	vgt.f32 v17, v18;
	v8 =	vsel vm0, v8, v18  }
0x24: {  	v11 =	vld [tilespmem:s22+$0xFFFFFFF0];
	v10 =	vsel vm0, s29, v6;
	v9 =	vsel vm1, v9, v18;
	v12 =	vsel vm2, v12, v18  }
0x25: {  	s30 =	simm.s32 $0x1;
	v20 =	vld [tilespmem:s22+$0x0];
	v13 =	vsel vm3, v13, v18;
	v14 =	vsel vm4, v14, v18;
	vm0 =	vgt.f32 v19, v18  }
0x26: {  	s31 =	simm.s32 $0x4;
	s25 =	simm.s32 $0x5;
	s26 =	simm.s32 $0x6;
	v15 =	vld [tilespmem:s22+$0x10];
	v22 =	vsel vm5, v16, v18;
	v16 =	vsel vm6, v17, v18;
	v21 =	vsel vm1, s30, v6  }
0x27: {  	s21 =	simm.s32 $0x7;
	s23 =	simm.s32 $0x2;
	s24 =	simm.s32 $0x3;
	v26 =	vld [tilespmem:s22+$0x20];
	v23 =	vsel vm4, s31, v6;
	v24 =	vsel vm5, s25, v6;
	v25 =	vsel vm6, s26, v6  }
0x28: {  	s20 =	simm.s32 $0xF;
	v28 =	vld [tilespmem:s22+$0x30];
	s22 =	simm.s32 $0x140;
	v17 =	vsel vm0, v19, v18;
	v18 =	vsel vm2, s23, v6;
	v19 =	vsel vm3, s24, v6;
	s23 =	simm.s32 $0x17  }
.LBB2_4:
0x29: {  	v30 =	vld [tilespmem:s22+$0xFFFFFFC0];
	p0 =	sne.s32 s23, $0x7FF;
	s24 =	sadd.s32 $0xFFFFFFF9, s20;
	vm2 =	vgt.f32 v27, v8;
	vm1 =	vgt.f32 v7, v9;
	v6 =	vsel vm0, s21, v6;
	s21 =	smov.u32 s20  }
0x2a: {  	s20 =	smov.u32 s23;
	v8 =	vsel vm2, v27, v8;
	v10 =	vsel vm2, s24, v10;
	v9 =	vsel vm1, v7, v9;
	v7 =	vld [tilespmem:s22+$0xFFFFFFD0]  }
0x2b: {  	vm3 =	vgt.f32 v11, v13;
	vm2 =	vgt.f32 v29, v12;
	vm4 =	vgt.f32 v20, v14;
	v31 =	vld [tilespmem:s22+$0xFFFFFFE0]  }
.Ltmp1:
0x2c: {  	v13 =	vsel vm3, v11, v13;
	v12 =	vsel vm2, v29, v12;
	v14 =	vsel vm4, v20, v14;
	v11 =	vld [tilespmem:s22+$0xFFFFFFF0];
	(pc) =	sbr.rel @p0 .LBB2_4-.Ltmp1, $4  }
0x2d: {  	vm5 =	vgt.f32 v15, v22;
	vm6 =	vgt.f32 v26, v16;
	v20 =	vld [tilespmem:s22+$0x0];
	vm0 =	vgt.f32 v28, v17  }
0x2e: {  	s24 =	sadd.s32 $0xFFFFFFFA, s21;
	s25 =	sadd.s32 $0xFFFFFFFB, s21;
	s26 =	sadd.s32 $0xFFFFFFFC, s21;
	v22 =	vsel vm5, v15, v22;
	v16 =	vsel vm6, v26, v16;
	v15 =	vld [tilespmem:s22+$0x10];
	v17 =	vsel vm0, v28, v17;
	v27 =	vmovc v30  }
0x2f: {  	v21 =	vsel vm1, s24, v21;
	v18 =	vsel vm2, s25, v18;
	v19 =	vsel vm3, s26, v19;
	s24 =	sadd.s32 $0xFFFFFFFD, s21;
	s25 =	sadd.s32 $0xFFFFFFFE, s21;
	s26 =	sadd.s32 $0xFFFFFFFF, s21;
	v26 =	vld [tilespmem:s22+$0x20]  }
0x30: {  	s23 =	sadd.s32 $0x8, s23;
	v23 =	vsel vm4, s24, v23;
	v24 =	vsel vm5, s25, v24;
	v25 =	vsel vm6, s26, v25;
	v28 =	vld [tilespmem:s22+$0x30];
	s22 =	sadd.s32 $0x80, s22;
	v29 =	vmovc v31  }
0x31: {  	vm1 =	vgt.f32 v27, v8  }
0x32: {  	s22 =	sadd.s32 $0xFFFFFFF9, s20;
	vm2 =	vgt.f32 v7, v9;
	v6 =	vsel vm0, s21, v6;
	vm0 =	vgt.f32 v29, v12  }
0x33: {  	v8 =	vsel vm1, v27, v8;
	v10 =	vsel vm1, s22, v10;
	v7 =	vsel vm2, v7, v9  }
0x34: {  	vm1 =	vgt.f32 v11, v13;
	vm3 =	vgt.f32 v20, v14;
	v9 =	vsel vm0, v29, v12  }
0x35: {  	v11 =	vsel vm1, v11, v13;
	v12 =	vsel vm3, v20, v14;
	vm4 =	vgt.f32 v15, v22  }
0x36: {  	s29 =	sadd.s32 $0xFFFFFFFA, s20;
	v10 =	vshll.u32 v10, $0x4;
	vm5 =	vgt.f32 v26, v16;
	v13 =	vsel vm4, v15, v22  }
0x37: {  	s30 =	sadd.s32 $0xFFFFFFFB, s20;
	s24 =	sadd.s32 $0xFFFFFFFF, s20;
	vm6 =	vgt.f32 v28, v17;
	v14 =	vsel vm5, v26, v16;
	v16 =	vsel vm2, s29, v21  }
0x38: {  	s23 =	sadd.s32 $0xFFFFFFFC, s20;
	s31 =	sadd.s32 $0xFFFFFFFD, s20;
	v21 =	vsel vm5, s24, v25;
	v15 =	vsel vm6, v28, v17;
	v17 =	vsel vm0, s30, v18  }
0x39: {  	v18 =	vsel vm1, s23, v19;
	v19 =	vsel vm3, s31, v23;
	v6 =	vsel vm6, s20, v6  }
0x3a: {  	s23 =	sadd.s32 $0xFFFFFFFE, s20;
	v16 =	vshll.u32 v16, $0x4;
	v21 =	vshll.u32 v21, $0x4;
	vm0 =	vgt.f32 v7, v8  }
0x3b: {  	vm1 =	veq.f32 v7, v8;
	vm3 =	veq.f32 v11, v9;
	v20 =	vsel vm4, s23, v24  }
0x3c: {  	v17 =	vshll.u32 v17, $0x4;
	v18 =	vshll.u32 v18, $0x4;
	v19 =	vshll.u32 v19, $0x4  }
0x3d: {  	vm2 =	vlt.s32 v16, v10;
	v6 =	vshll.u32 v6, $0x4;
	v20 =	vshll.u32 v20, $0x4  }
0x3e: {  	vm11 =	vlt.s32 v18, v17;
	vm1 =	vmand vm1, vm2;
	vm2 =	vgt.f32 v11, v9  }
0x3f: {  	vm12 =	vlt.s32 v6, v21;
	vm3 =	vmand vm3, vm11;
	vm0 =	vmor vm0, vm1  }
0x40: {  	vm1 =	vmor vm2, vm3;
	v7 =	vsel vm0, v7, v8;
	v8 =	vsel vm0, v16, v10  }
0x41: {  	vm0 =	vgt.f32 v13, v12;
	vm2 =	veq.f32 v13, v12;
	vm3 =	vlt.s32 v20, v19  }
0x42: {  	v9 =	vsel vm1, v11, v9;
	vm2 =	vmand vm2, vm3;
	vm3 =	veq.f32 v15, v14  }
0x43: {  	vm0 =	vmor vm0, vm2;
	vm2 =	vgt.f32 v15, v14;
	vm3 =	vmand vm3, vm12  }
0x44: {  	v10 =	vsel vm1, v18, v17;
	v11 =	vsel vm0, v13, v12;
	vm1 =	vmor vm2, vm3  }
0x45: {  	v12 =	vsel vm0, v20, v19;
	vm0 =	vgt.f32 v9, v7;
	vm2 =	vlt.s32 v10, v8  }
0x46: {  	v13 =	vsel vm1, v15, v14;
	v6 =	vsel vm1, v6, v21;
	vm1 =	veq.f32 v9, v7  }
0x47: {  	vm1 =	vmand vm1, vm2;
	vm2 =	veq.f32 v13, v11;
	vm3 =	vlt.s32 v6, v12  }
0x48: {  	vm0 =	vmor vm0, vm1;
	vm1 =	vgt.f32 v13, v11;
	vm2 =	vmand vm2, vm3  }
0x49: {  	v7 =	vsel vm0, v9, v7;
	vm1 =	vmor vm1, vm2  }
0x4a: {  	v8 =	vsel vm0, v10, v8;
	v9 =	vsel vm1, v13, v11;
	v6 =	vsel vm1, v6, v12  }
0x4b: {  	vm0 =	veq.f32 v9, v7;
	vm1 =	vlt.s32 v6, v8  }
0x4c: {  	vm2 =	vgt.f32 v9, v7;
	vm0 =	vmand vm0, vm1  }
0x4d: {  	vm0 =	vmor vm2, vm0  }
0x4e: {  	v6 =	vsel vm0, v6, v8  }
0x4f: {  	v7 =	vsel vm0, v9, v7;
	v6 =	vor.u32 v1, v6  }
0x50: {  	v8 =	vperm.xlane v7, v2;
	v9 =	vperm.xlane v6, v2;
	_ =	sdelay $0x1  }
0x51: {  	vm0 =	veq.f32 v8, v7;
	vm1 =	vlt.s32 v9, v6  }
0x52: {  	vm2 =	vgt.f32 v8, v7;
	vm0 =	vmand vm0, vm1  }
0x53: {  	vm0 =	vmor vm2, vm0  }
0x54: {  	v7 =	vsel vm0, v8, v7;
	v6 =	vsel vm0, v9, v6  }
0x55: {  	v8 =	vperm.xlane v7, v3;
	v9 =	vperm.xlane v6, v3;
	_ =	sdelay $0x1  }
0x56: {  	vm0 =	veq.f32 v8, v7;
	vm1 =	vlt.s32 v9, v6  }
0x57: {  	vm2 =	vgt.f32 v8, v7;
	vm0 =	vmand vm0, vm1  }
0x58: {  	vm0 =	vmor vm2, vm0  }
0x59: {  	v7 =	vsel vm0, v8, v7;
	v6 =	vsel vm0, v9, v6  }
0x5a: {  	v8 =	vperm.xlane v7, v4;
	v9 =	vperm.xlane v6, v4;
	_ =	sdelay $0x1  }
0x5b: {  	vm0 =	veq.f32 v8, v7;
	vm1 =	vlt.s32 v9, v6  }
0x5c: {  	vm2 =	vgt.f32 v8, v7;
	vm0 =	vmand vm0, vm1  }
0x5d: {  	vm0 =	vmor vm2, vm0  }
0x5e: {  	v7 =	vsel vm0, v8, v7;
	v6 =	vsel vm0, v9, v6  }
0x5f: {  	v8 =	vperm.xlane v7, v5;
	v9 =	vperm.xlane v6, v5;
	_ =	sdelay $0x1  }
0x60: {  	vm0 =	veq.f32 v8, v7;
	vm1 =	vlt.s32 v9, v6  }
0x61: {  	vm2 =	vgt.f32 v8, v7;
	vm0 =	vmand vm0, vm1  }
0x62: {  	vm0 =	vmor vm2, vm0  }
0x63: {  	v6 =	vsel vm0, v9, v6  }
0x64: {  	(v2sf) =	vpush v6, $0x0;
	_ =	sdelay $0xe  }
0x65: {  	s25 =	spop (v2sf)  }
0x66: {  	s26 =	sand.u32 $0xF, s25  }
0x67: {  	v6 =	vmov s26  }
0x68: {  	[tilespmem:s1], [sflag:$0x1] =	stream.strided.gather [hbm4b:s5+s12], $0x8000, s13, s12, $0x38;
	vm0 =	veq.s32 v6, v1;
	[tilespmem:$0x18000] =	vst v63  }
0x69: {  	s20 =	sand.u32 $0xFFFFFFF0, s25;
	v6 =	vsel vm0, $0x3F800000, v0  }
0x6a: {  	[tilespmem:s20+$0x10000] =	vst v6  }
0x6b: {  	[hbm4b:s6+s12] =	stream.strided.scatter [tilespmem:s16], [sflag:$0x3], $0x8000, s13, s12, $0x38;
	[tilespmem:$0x18000] =	vst v63  }
0x6c: {  	_ =	swait.ge [sflag:s17], $0x8000  }
0x6d: {  	[sflag:s17] =	ssyncset.done $0x0  }
0x6e: {  	s28 =	simm.s32 $0x8040;
	[sflag:s17] =	ssyncadd.s32 $0xFFFF8000  }
0x6f: {  	v8 =	vld [tilespmem:s28+$0xFFFFFFC0]  }
0x70: {  	v9 =	vld [tilespmem:s28+$0xFFFFFFD0]  }
0x71: {  	v12 =	vld [tilespmem:s28+$0xFFFFFFE0]  }
0x72: {  	v13 =	vld [tilespmem:s28+$0xFFFFFFF0]  }
0x73: {  	v14 =	vld [tilespmem:s28+$0x0]  }
0x74: {  	v16 =	vld [tilespmem:s28+$0x10]  }
0x75: {  	v17 =	vld [tilespmem:s28+$0x20];
	_ =	sdelay $0x1  }
0x76: {  	s23 =	simm.s32 $0x80C0;
	v18 =	vimm.f32 $-Inf;
	v19 =	vld [tilespmem:s28+$0x30]  }
0x77: {  	v6 =	vimm.s32 $0x0;
	v27 =	vld [tilespmem:s23+$0xFFFFFFC0];
	vm0 =	vgt.f32 v8, v18;
	vm1 =	vgt.f32 v9, v18  }
0x78: {  	v7 =	vld [tilespmem:s23+$0xFFFFFFD0];
	vm2 =	vgt.f32 v12, v18;
	vm3 =	vgt.f32 v13, v18;
	vm13 =	vgt.f32 v14, v18  }
0x79: {  	s29 =	simm.s32 $0x0;
	v29 =	vld [tilespmem:s23+$0xFFFFFFE0];
	vm14 =	vgt.f32 v16, v18;
	vm15 =	vgt.f32 v17, v18;
	v8 =	vsel vm0, v8, v18  }
0x7a: {  	v11 =	vld [tilespmem:s23+$0xFFFFFFF0];
	v10 =	vsel vm0, s29, v6;
	v9 =	vsel vm1, v9, v18;
	v12 =	vsel vm2, v12, v18  }
0x7b: {  	s30 =	simm.s32 $0x1;
	v20 =	vld [tilespmem:s23+$0x0];
	v13 =	vsel vm3, v13, v18;
	v14 =	vsel vm13, v14, v18;
	vm0 =	vgt.f32 v19, v18  }
0x7c: {  	s31 =	simm.s32 $0x4;
	s26 =	simm.s32 $0x5;
	v15 =	vld [tilespmem:s23+$0x10];
	s28 =	simm.s32 $0x6;
	v22 =	vsel vm14, v16, v18;
	v16 =	vsel vm15, v17, v18;
	v21 =	vsel vm1, s30, v6  }
0x7d: {  	s21 =	simm.s32 $0xF;
	s24 =	simm.s32 $0x2;
	s25 =	simm.s32 $0x3;
	v26 =	vld [tilespmem:s23+$0x20];
	v23 =	vsel vm13, s31, v6;
	v24 =	vsel vm14, s26, v6;
	v25 =	vsel vm15, s28, v6  }
0x7e: {  	s22 =	simm.s32 $0x7;
	v28 =	vld [tilespmem:s23+$0x30];
	s23 =	simm.s32 $0x8140;
	v17 =	vsel vm0, v19, v18;
	v18 =	vsel vm2, s24, v6;
	v19 =	vsel vm3, s25, v6;
	s24 =	simm.s32 $0x17  }
.LBB2_6:
0x7f: {  	v30 =	vld [tilespmem:s23+$0xFFFFFFC0];
	p0 =	sne.s32 s24, $0x7FF;
	s25 =	sadd.s32 $0xFFFFFFF9, s21;
	vm2 =	vgt.f32 v27, v8;
	vm1 =	vgt.f32 v7, v9;
	v6 =	vsel vm0, s22, v6;
	s22 =	smov.u32 s21  }
0x80: {  	s21 =	smov.u32 s24;
	v8 =	vsel vm2, v27, v8;
	v10 =	vsel vm2, s25, v10;
	v9 =	vsel vm1, v7, v9;
	v7 =	vld [tilespmem:s23+$0xFFFFFFD0]  }
0x81: {  	vm3 =	vgt.f32 v11, v13;
	vm2 =	vgt.f32 v29, v12;
	vm4 =	vgt.f32 v20, v14;
	v31 =	vld [tilespmem:s23+$0xFFFFFFE0]  }
.Ltmp2:
0x82: {  	v13 =	vsel vm3, v11, v13;
	v12 =	vsel vm2, v29, v12;
	v14 =	vsel vm4, v20, v14;
	v11 =	vld [tilespmem:s23+$0xFFFFFFF0];
	(pc) =	sbr.rel @p0 .LBB2_6-.Ltmp2, $4  }
0x83: {  	vm5 =	vgt.f32 v15, v22;
	vm6 =	vgt.f32 v26, v16;
	v20 =	vld [tilespmem:s23+$0x0];
	vm0 =	vgt.f32 v28, v17  }
0x84: {  	s25 =	sadd.s32 $0xFFFFFFFA, s22;
	s26 =	sadd.s32 $0xFFFFFFFB, s22;
	s28 =	sadd.s32 $0xFFFFFFFC, s22;
	v22 =	vsel vm5, v15, v22;
	v16 =	vsel vm6, v26, v16;
	v15 =	vld [tilespmem:s23+$0x10];
	v17 =	vsel vm0, v28, v17;
	v27 =	vmovc v30  }
0x85: {  	v21 =	vsel vm1, s25, v21;
	v18 =	vsel vm2, s26, v18;
	v19 =	vsel vm3, s28, v19;
	s25 =	sadd.s32 $0xFFFFFFFD, s22;
	s26 =	sadd.s32 $0xFFFFFFFE, s22;
	s28 =	sadd.s32 $0xFFFFFFFF, s22;
	v26 =	vld [tilespmem:s23+$0x20]  }
0x86: {  	s24 =	sadd.s32 $0x8, s24;
	v23 =	vsel vm4, s25, v23;
	v24 =	vsel vm5, s26, v24;
	v25 =	vsel vm6, s28, v25;
	v28 =	vld [tilespmem:s23+$0x30];
	s23 =	sadd.s32 $0x80, s23;
	v29 =	vmovc v31  }
0x87: {  	vm1 =	vgt.f32 v27, v8  }
0x88: {  	s23 =	sadd.s32 $0xFFFFFFF9, s21;
	vm2 =	vgt.f32 v7, v9;
	v6 =	vsel vm0, s22, v6;
	vm0 =	vgt.f32 v29, v12  }
0x89: {  	v8 =	vsel vm1, v27, v8;
	v10 =	vsel vm1, s23, v10;
	v7 =	vsel vm2, v7, v9  }
0x8a: {  	vm1 =	vgt.f32 v11, v13;
	vm3 =	vgt.f32 v20, v14;
	v9 =	vsel vm0, v29, v12  }
0x8b: {  	v11 =	vsel vm1, v11, v13;
	v12 =	vsel vm3, v20, v14;
	vm4 =	vgt.f32 v15, v22  }
0x8c: {  	s30 =	sadd.s32 $0xFFFFFFFE, s21;
	v10 =	vshll.u32 v10, $0x4;
	vm5 =	vgt.f32 v26, v16;
	v13 =	vsel vm4, v15, v22  }
0x8d: {  	s26 =	sadd.s32 $0xFFFFFFFA, s21;
	s31 =	sadd.s32 $0xFFFFFFFF, s21;
	v20 =	vsel vm4, s30, v24;
	vm6 =	vgt.f32 v28, v17;
	v14 =	vsel vm5, v26, v16  }
0x8e: {  	s28 =	sadd.s32 $0xFFFFFFFB, s21;
	s24 =	sadd.s32 $0xFFFFFFFC, s21;
	v16 =	vsel vm2, s26, v21;
	v21 =	vsel vm5, s31, v25;
	v20 =	vshll.u32 v20, $0x4  }
0x8f: {  	s29 =	sadd.s32 $0xFFFFFFFD, s21;
	v15 =	vsel vm6, v28, v17;
	v17 =	vsel vm0, s28, v18;
	v18 =	vsel vm1, s24, v19  }
0x90: {  	v19 =	vsel vm3, s29, v23;
	v6 =	vsel vm6, s21, v6;
	v16 =	vshll.u32 v16, $0x4  }
0x91: {  	v21 =	vshll.u32 v21, $0x4;
	vm0 =	vgt.f32 v7, v8;
	vm1 =	veq.f32 v7, v8  }
0x92: {  	vm3 =	veq.f32 v11, v9;
	v17 =	vshll.u32 v17, $0x4;
	v18 =	vshll.u32 v18, $0x4  }
0x93: {  	v19 =	vshll.u32 v19, $0x4;
	vm2 =	vlt.s32 v16, v10;
	v6 =	vshll.u32 v6, $0x4  }
0x94: {  	vm11 =	vlt.s32 v18, v17;
	vm1 =	vmand vm1, vm2;
	vm2 =	vgt.f32 v11, v9  }
0x95: {  	vm12 =	vlt.s32 v6, v21;
	vm3 =	vmand vm3, vm11;
	vm0 =	vmor vm0, vm1  }
0x96: {  	vm1 =	vmor vm2, vm3;
	v7 =	vsel vm0, v7, v8;
	v8 =	vsel vm0, v16, v10  }
0x97: {  	vm0 =	vgt.f32 v13, v12;
	vm2 =	veq.f32 v13, v12;
	vm3 =	vlt.s32 v20, v19  }
0x98: {  	v9 =	vsel vm1, v11, v9;
	vm2 =	vmand vm2, vm3;
	vm3 =	veq.f32 v15, v14  }
0x99: {  	vm0 =	vmor vm0, vm2;
	vm2 =	vgt.f32 v15, v14;
	vm3 =	vmand vm3, vm12  }
0x9a: {  	v10 =	vsel vm1, v18, v17;
	v11 =	vsel vm0, v13, v12;
	vm1 =	vmor vm2, vm3  }
0x9b: {  	v12 =	vsel vm0, v20, v19;
	vm0 =	vgt.f32 v9, v7;
	vm2 =	vlt.s32 v10, v8  }
0x9c: {  	v13 =	vsel vm1, v15, v14;
	v6 =	vsel vm1, v6, v21;
	vm1 =	veq.f32 v9, v7  }
0x9d: {  	vm1 =	vmand vm1, vm2;
	vm2 =	veq.f32 v13, v11;
	vm3 =	vlt.s32 v6, v12  }
0x9e: {  	vm0 =	vmor vm0, vm1;
	vm1 =	vgt.f32 v13, v11;
	vm2 =	vmand vm2, vm3  }
0x9f: {  	v7 =	vsel vm0, v9, v7;
	vm1 =	vmor vm1, vm2  }
0xa0: {  	v8 =	vsel vm0, v10, v8;
	v9 =	vsel vm1, v13, v11;
	v6 =	vsel vm1, v6, v12  }
0xa1: {  	vm0 =	veq.f32 v9, v7;
	vm1 =	vlt.s32 v6, v8  }
0xa2: {  	vm2 =	vgt.f32 v9, v7;
	vm0 =	vmand vm0, vm1  }
0xa3: {  	vm0 =	vmor vm2, vm0  }
0xa4: {  	v6 =	vsel vm0, v6, v8  }
0xa5: {  	v7 =	vsel vm0, v9, v7;
	v6 =	vor.u32 v1, v6  }
0xa6: {  	v8 =	vperm.xlane v7, v2;
	v9 =	vperm.xlane v6, v2;
	_ =	sdelay $0x1  }
0xa7: {  	vm0 =	veq.f32 v8, v7;
	vm1 =	vlt.s32 v9, v6  }
0xa8: {  	vm2 =	vgt.f32 v8, v7;
	vm0 =	vmand vm0, vm1  }
0xa9: {  	vm0 =	vmor vm2, vm0  }
0xaa: {  	v7 =	vsel vm0, v8, v7;
	v6 =	vsel vm0, v9, v6  }
0xab: {  	v8 =	vperm.xlane v7, v3;
	v9 =	vperm.xlane v6, v3;
	_ =	sdelay $0x1  }
0xac: {  	vm0 =	veq.f32 v8, v7;
	vm1 =	vlt.s32 v9, v6  }
0xad: {  	vm2 =	vgt.f32 v8, v7;
	vm0 =	vmand vm0, vm1  }
0xae: {  	vm0 =	vmor vm2, vm0  }
0xaf: {  	v7 =	vsel vm0, v8, v7;
	v6 =	vsel vm0, v9, v6  }
0xb0: {  	v8 =	vperm.xlane v7, v4;
	v9 =	vperm.xlane v6, v4;
	_ =	sdelay $0x1  }
0xb1: {  	vm0 =	veq.f32 v8, v7;
	vm1 =	vlt.s32 v9, v6  }
0xb2: {  	vm2 =	vgt.f32 v8, v7;
	vm0 =	vmand vm0, vm1  }
0xb3: {  	vm0 =	vmor vm2, vm0  }
0xb4: {  	v7 =	vsel vm0, v8, v7;
	v6 =	vsel vm0, v9, v6  }
0xb5: {  	v8 =	vperm.xlane v7, v5;
	v9 =	vperm.xlane v6, v5;
	_ =	sdelay $0x1  }
0xb6: {  	vm0 =	veq.f32 v8, v7;
	vm1 =	vlt.s32 v9, v6  }
0xb7: {  	vm2 =	vgt.f32 v8, v7;
	vm0 =	vmand vm0, vm1  }
0xb8: {  	vm0 =	vmor vm2, vm0  }
0xb9: {  	v6 =	vsel vm0, v9, v6  }
0xba: {  	(v2sf) =	vpush v6, $0x0;
	_ =	sdelay $0xd  }
0xbb: {  	[tilespmem:s14], [sflag:$0x2] =	stream.strided.gather [hbm4b:s7+s12], $0x8000, s13, s12, $0x38;
	[tilespmem:$0x18000] =	vst v63  }
0xbc: {  	s24 =	spop (v2sf)  }
0xbd: {  	s25 =	sand.u32 $0xF, s24;
	_ =	swait.ge [sflag:s18], $0x8000  }
0xbe: {  	v6 =	vmov s25;
	[sflag:s18] =	ssyncset.done $0x0  }
0xbf: {  	vm0 =	veq.s32 v6, v1;
	[sflag:s18] =	ssyncadd.s32 $0xFFFF8000  }
0xc0: {  	v6 =	vsel vm0, $0x3F800000, v0;
	[tilespmem:s20+$0x10000] =	vst v0;
	s20 =	sand.u32 $0xFFFFFFF0, s24  }
0xc1: {  	[tilespmem:s20+$0x10000] =	vst v6  }
0xc2: {  	[hbm4b:s8+s12] =	stream.strided.scatter [tilespmem:s16], [sflag:$0x3], $0x8000, s13, s12, $0x38;
	[tilespmem:$0x18000] =	vst v63  }
0xc3: {  	_ =	swait.ge [sflag:s15], $0x8000  }
0xc4: {  	[sflag:s15] =	ssyncset.done $0x0  }
0xc5: {  	s26 =	simm.s32 $0x40;
	[sflag:s15] =	ssyncadd.s32 $0xFFFF8000  }
0xc6: {  	v8 =	vld [tilespmem:s26+$0xFFFFFFC0]  }
0xc7: {  	v9 =	vld [tilespmem:s26+$0xFFFFFFD0]  }
0xc8: {  	v12 =	vld [tilespmem:s26+$0xFFFFFFE0]  }
0xc9: {  	v13 =	vld [tilespmem:s26+$0xFFFFFFF0]  }
0xca: {  	v14 =	vld [tilespmem:s26+$0x0]  }
0xcb: {  	v16 =	vld [tilespmem:s26+$0x10]  }
0xcc: {  	v17 =	vld [tilespmem:s26+$0x20];
	_ =	sdelay $0x1  }
0xcd: {  	s23 =	simm.s32 $0xC0;
	v18 =	vimm.f32 $-Inf;
	v19 =	vld [tilespmem:s26+$0x30]  }
0xce: {  	v6 =	vimm.s32 $0x0;
	v27 =	vld [tilespmem:s23+$0xFFFFFFC0];
	vm0 =	vgt.f32 v8, v18;
	vm1 =	vgt.f32 v9, v18  }
0xcf: {  	v7 =	vld [tilespmem:s23+$0xFFFFFFD0];
	vm2 =	vgt.f32 v12, v18;
	vm3 =	vgt.f32 v13, v18;
	vm13 =	vgt.f32 v14, v18  }
0xd0: {  	s28 =	simm.s32 $0x0;
	v29 =	vld [tilespmem:s23+$0xFFFFFFE0];
	vm14 =	vgt.f32 v16, v18;
	vm15 =	vgt.f32 v17, v18;
	v8 =	vsel vm0, v8, v18  }
0xd1: {  	v11 =	vld [tilespmem:s23+$0xFFFFFFF0];
	v10 =	vsel vm0, s28, v6;
	v9 =	vsel vm1, v9, v18;
	v12 =	vsel vm2, v12, v18  }
0xd2: {  	s29 =	simm.s32 $0x1;
	v20 =	vld [tilespmem:s23+$0x0];
	v13 =	vsel vm3, v13, v18;
	v14 =	vsel vm13, v14, v18;
	vm0 =	vgt.f32 v19, v18  }
0xd3: {  	s22 =	simm.s32 $0x7;
	s31 =	simm.s32 $0x4;
	v15 =	vld [tilespmem:s23+$0x10];
	s26 =	simm.s32 $0x5;
	v22 =	vsel vm14, v16, v18;
	v16 =	vsel vm15, v17, v18;
	v21 =	vsel vm1, s29, v6  }
0xd4: {  	s30 =	simm.s32 $0x2;
	s25 =	simm.s32 $0x3;
	v26 =	vld [tilespmem:s23+$0x20];
	s28 =	simm.s32 $0x6;
	v23 =	vsel vm13, s31, v6;
	v24 =	vsel vm14, s26, v6;
	v17 =	vsel vm0, v19, v18  }
0xd5: {  	s21 =	simm.s32 $0xF;
	s24 =	simm.s32 $0x17;
	v28 =	vld [tilespmem:s23+$0x30];
	s23 =	simm.s32 $0x140;
	v18 =	vsel vm2, s30, v6;
	v19 =	vsel vm3, s25, v6;
	v25 =	vsel vm15, s28, v6  }
.LBB2_8:
0xd6: {  	v30 =	vld [tilespmem:s23+$0xFFFFFFC0];
	p0 =	sne.s32 s24, $0x7FF;
	s25 =	sadd.s32 $0xFFFFFFF9, s21;
	vm2 =	vgt.f32 v27, v8;
	vm1 =	vgt.f32 v7, v9;
	v6 =	vsel vm0, s22, v6;
	s22 =	smov.u32 s21  }
0xd7: {  	s21 =	smov.u32 s24;
	v8 =	vsel vm2, v27, v8;
	v10 =	vsel vm2, s25, v10;
	v9 =	vsel vm1, v7, v9;
	v7 =	vld [tilespmem:s23+$0xFFFFFFD0]  }
0xd8: {  	vm3 =	vgt.f32 v11, v13;
	vm2 =	vgt.f32 v29, v12;
	vm4 =	vgt.f32 v20, v14;
	v31 =	vld [tilespmem:s23+$0xFFFFFFE0]  }
.Ltmp3:
0xd9: {  	v13 =	vsel vm3, v11, v13;
	v12 =	vsel vm2, v29, v12;
	v14 =	vsel vm4, v20, v14;
	v11 =	vld [tilespmem:s23+$0xFFFFFFF0];
	(pc) =	sbr.rel @p0 .LBB2_8-.Ltmp3, $4  }
0xda: {  	vm5 =	vgt.f32 v15, v22;
	vm6 =	vgt.f32 v26, v16;
	v20 =	vld [tilespmem:s23+$0x0];
	vm0 =	vgt.f32 v28, v17  }
0xdb: {  	s25 =	sadd.s32 $0xFFFFFFFA, s22;
	s26 =	sadd.s32 $0xFFFFFFFB, s22;
	s28 =	sadd.s32 $0xFFFFFFFC, s22;
	v22 =	vsel vm5, v15, v22;
	v16 =	vsel vm6, v26, v16;
	v15 =	vld [tilespmem:s23+$0x10];
	v17 =	vsel vm0, v28, v17;
	v27 =	vmovc v30  }
0xdc: {  	v21 =	vsel vm1, s25, v21;
	v18 =	vsel vm2, s26, v18;
	v19 =	vsel vm3, s28, v19;
	s25 =	sadd.s32 $0xFFFFFFFD, s22;
	s26 =	sadd.s32 $0xFFFFFFFE, s22;
	s28 =	sadd.s32 $0xFFFFFFFF, s22;
	v26 =	vld [tilespmem:s23+$0x20]  }
0xdd: {  	s24 =	sadd.s32 $0x8, s24;
	v23 =	vsel vm4, s25, v23;
	v24 =	vsel vm5, s26, v24;
	v25 =	vsel vm6, s28, v25;
	v28 =	vld [tilespmem:s23+$0x30];
	s23 =	sadd.s32 $0x80, s23;
	v29 =	vmovc v31  }
0xde: {  	vm1 =	vgt.f32 v27, v8  }
0xdf: {  	s23 =	sadd.s32 $0xFFFFFFF9, s21;
	vm2 =	vgt.f32 v7, v9;
	v6 =	vsel vm0, s22, v6;
	vm0 =	vgt.f32 v29, v12  }
0xe0: {  	v8 =	vsel vm1, v27, v8;
	v10 =	vsel vm1, s23, v10;
	v7 =	vsel vm2, v7, v9  }
0xe1: {  	vm1 =	vgt.f32 v11, v13;
	vm3 =	vgt.f32 v20, v14;
	v9 =	vsel vm0, v29, v12  }
0xe2: {  	v11 =	vsel vm1, v11, v13;
	v12 =	vsel vm3, v20, v14;
	vm4 =	vgt.f32 v15, v22  }
0xe3: {  	s30 =	sadd.s32 $0xFFFFFFFE, s21;
	v10 =	vshll.u32 v10, $0x4;
	vm5 =	vgt.f32 v26, v16;
	v13 =	vsel vm4, v15, v22  }
0xe4: {  	s26 =	sadd.s32 $0xFFFFFFFA, s21;
	s31 =	sadd.s32 $0xFFFFFFFF, s21;
	v20 =	vsel vm4, s30, v24;
	vm6 =	vgt.f32 v28, v17;
	v14 =	vsel vm5, v26, v16  }
0xe5: {  	s28 =	sadd.s32 $0xFFFFFFFB, s21;
	s24 =	sadd.s32 $0xFFFFFFFC, s21;
	v16 =	vsel vm2, s26, v21;
	v21 =	vsel vm5, s31, v25;
	v20 =	vshll.u32 v20, $0x4  }
0xe6: {  	s29 =	sadd.s32 $0xFFFFFFFD, s21;
	v15 =	vsel vm6, v28, v17;
	v17 =	vsel vm0, s28, v18;
	v18 =	vsel vm1, s24, v19  }
0xe7: {  	v19 =	vsel vm3, s29, v23;
	v6 =	vsel vm6, s21, v6;
	v16 =	vshll.u32 v16, $0x4  }
0xe8: {  	v21 =	vshll.u32 v21, $0x4;
	vm0 =	vgt.f32 v7, v8;
	vm1 =	veq.f32 v7, v8  }
0xe9: {  	vm3 =	veq.f32 v11, v9;
	v17 =	vshll.u32 v17, $0x4;
	v18 =	vshll.u32 v18, $0x4  }
0xea: {  	v19 =	vshll.u32 v19, $0x4;
	vm2 =	vlt.s32 v16, v10;
	v6 =	vshll.u32 v6, $0x4  }
0xeb: {  	vm11 =	vlt.s32 v18, v17;
	vm1 =	vmand vm1, vm2;
	vm2 =	vgt.f32 v11, v9  }
0xec: {  	vm12 =	vlt.s32 v6, v21;
	vm3 =	vmand vm3, vm11;
	vm0 =	vmor vm0, vm1  }
0xed: {  	vm1 =	vmor vm2, vm3;
	v7 =	vsel vm0, v7, v8;
	v8 =	vsel vm0, v16, v10  }
0xee: {  	vm0 =	vgt.f32 v13, v12;
	vm2 =	veq.f32 v13, v12;
	vm3 =	vlt.s32 v20, v19  }
0xef: {  	v9 =	vsel vm1, v11, v9;
	vm2 =	vmand vm2, vm3;
	vm3 =	veq.f32 v15, v14  }
0xf0: {  	vm0 =	vmor vm0, vm2;
	vm2 =	vgt.f32 v15, v14;
	vm3 =	vmand vm3, vm12  }
0xf1: {  	v10 =	vsel vm1, v18, v17;
	v11 =	vsel vm0, v13, v12;
	vm1 =	vmor vm2, vm3  }
0xf2: {  	v12 =	vsel vm0, v20, v19;
	vm0 =	vgt.f32 v9, v7;
	vm2 =	vlt.s32 v10, v8  }
0xf3: {  	v13 =	vsel vm1, v15, v14;
	v6 =	vsel vm1, v6, v21;
	vm1 =	veq.f32 v9, v7  }
0xf4: {  	vm1 =	vmand vm1, vm2;
	vm2 =	veq.f32 v13, v11;
	vm3 =	vlt.s32 v6, v12  }
0xf5: {  	vm0 =	vmor vm0, vm1;
	vm1 =	vgt.f32 v13, v11;
	vm2 =	vmand vm2, vm3  }
0xf6: {  	v7 =	vsel vm0, v9, v7;
	vm1 =	vmor vm1, vm2  }
0xf7: {  	v8 =	vsel vm0, v10, v8;
	v9 =	vsel vm1, v13, v11;
	v6 =	vsel vm1, v6, v12  }
0xf8: {  	vm0 =	veq.f32 v9, v7;
	vm1 =	vlt.s32 v6, v8  }
0xf9: {  	vm2 =	vgt.f32 v9, v7;
	vm0 =	vmand vm0, vm1  }
0xfa: {  	vm0 =	vmor vm2, vm0  }
0xfb: {  	v6 =	vsel vm0, v6, v8  }
0xfc: {  	v7 =	vsel vm0, v9, v7;
	v6 =	vor.u32 v1, v6  }
0xfd: {  	v8 =	vperm.xlane v7, v2;
	v9 =	vperm.xlane v6, v2;
	_ =	sdelay $0x1  }
0xfe: {  	vm0 =	veq.f32 v8, v7;
	vm1 =	vlt.s32 v9, v6  }
0xff: {  	vm2 =	vgt.f32 v8, v7;
	vm0 =	vmand vm0, vm1  }
0x100: {  	vm0 =	vmor vm2, vm0  }
0x101: {  	v7 =	vsel vm0, v8, v7;
	v6 =	vsel vm0, v9, v6  }
0x102: {  	v8 =	vperm.xlane v7, v3;
	v9 =	vperm.xlane v6, v3;
	_ =	sdelay $0x1  }
0x103: {  	vm0 =	veq.f32 v8, v7;
	vm1 =	vlt.s32 v9, v6  }
0x104: {  	vm2 =	vgt.f32 v8, v7;
	vm0 =	vmand vm0, vm1  }
0x105: {  	vm0 =	vmor vm2, vm0  }
0x106: {  	v7 =	vsel vm0, v8, v7;
	v6 =	vsel vm0, v9, v6  }
0x107: {  	v8 =	vperm.xlane v7, v4;
	v9 =	vperm.xlane v6, v4;
	_ =	sdelay $0x1  }
0x108: {  	vm0 =	veq.f32 v8, v7;
	vm1 =	vlt.s32 v9, v6  }
0x109: {  	vm2 =	vgt.f32 v8, v7;
	vm0 =	vmand vm0, vm1  }
0x10a: {  	vm0 =	vmor vm2, vm0  }
0x10b: {  	v7 =	vsel vm0, v8, v7;
	v6 =	vsel vm0, v9, v6  }
0x10c: {  	v8 =	vperm.xlane v7, v5;
	v9 =	vperm.xlane v6, v5;
	_ =	sdelay $0x1  }
0x10d: {  	vm0 =	veq.f32 v8, v7;
	vm1 =	vlt.s32 v9, v6  }
0x10e: {  	vm2 =	vgt.f32 v8, v7;
	vm0 =	vmand vm0, vm1  }
0x10f: {  	vm0 =	vmor vm2, vm0  }
0x110: {  	v6 =	vsel vm0, v9, v6  }
0x111: {  	(v2sf) =	vpush v6, $0x0;
	_ =	sdelay $0xe  }
0x112: {  	s24 =	spop (v2sf)  }
0x113: {  	s25 =	sand.u32 $0xF, s24;
	_ =	swait.ge [sflag:s18], $0x8000  }
0x114: {  	v6 =	vmov s25;
	[sflag:s18] =	ssyncset.done $0x0  }
0x115: {  	vm0 =	veq.s32 v6, v1;
	[sflag:s18] =	ssyncadd.s32 $0xFFFF8000  }
0x116: {  	v6 =	vsel vm0, $0x3F800000, v0;
	[tilespmem:s20+$0x10000] =	vst v0;
	s20 =	sand.u32 $0xFFFFFFF0, s24  }
0x117: {  	[tilespmem:s20+$0x10000] =	vst v6  }
0x118: {  	[hbm4b:s9+s12] =	stream.strided.scatter [tilespmem:s16], [sflag:$0x3], $0x8000, s13, s12, $0x38;
	[tilespmem:$0x18000] =	vst v63  }
0x119: {  	_ =	swait.ge [sflag:s17], $0x8000  }
0x11a: {  	[sflag:s17] =	ssyncset.done $0x0  }
0x11b: {  	s26 =	simm.s32 $0x8040;
	[sflag:s17] =	ssyncadd.s32 $0xFFFF8000  }
0x11c: {  	v8 =	vld [tilespmem:s26+$0xFFFFFFC0]  }
0x11d: {  	v9 =	vld [tilespmem:s26+$0xFFFFFFD0]  }
0x11e: {  	v12 =	vld [tilespmem:s26+$0xFFFFFFE0]  }
0x11f: {  	v13 =	vld [tilespmem:s26+$0xFFFFFFF0]  }
0x120: {  	v14 =	vld [tilespmem:s26+$0x0]  }
0x121: {  	v16 =	vld [tilespmem:s26+$0x10]  }
0x122: {  	v17 =	vld [tilespmem:s26+$0x20];
	_ =	sdelay $0x1  }
0x123: {  	s23 =	simm.s32 $0x80C0;
	v18 =	vimm.f32 $-Inf;
	v19 =	vld [tilespmem:s26+$0x30]  }
0x124: {  	v6 =	vimm.s32 $0x0;
	v27 =	vld [tilespmem:s23+$0xFFFFFFC0];
	vm0 =	vgt.f32 v8, v18;
	vm1 =	vgt.f32 v9, v18  }
0x125: {  	v7 =	vld [tilespmem:s23+$0xFFFFFFD0];
	vm2 =	vgt.f32 v12, v18;
	vm3 =	vgt.f32 v13, v18;
	vm13 =	vgt.f32 v14, v18  }
0x126: {  	s28 =	simm.s32 $0x0;
	v29 =	vld [tilespmem:s23+$0xFFFFFFE0];
	vm14 =	vgt.f32 v16, v18;
	vm15 =	vgt.f32 v17, v18;
	v8 =	vsel vm0, v8, v18  }
0x127: {  	v11 =	vld [tilespmem:s23+$0xFFFFFFF0];
	v10 =	vsel vm0, s28, v6;
	v9 =	vsel vm1, v9, v18;
	v12 =	vsel vm2, v12, v18  }
0x128: {  	s29 =	simm.s32 $0x1;
	v20 =	vld [tilespmem:s23+$0x0];
	v13 =	vsel vm3, v13, v18;
	v14 =	vsel vm13, v14, v18;
	vm0 =	vgt.f32 v19, v18  }
0x129: {  	s22 =	simm.s32 $0x7;
	s31 =	simm.s32 $0x4;
	v15 =	vld [tilespmem:s23+$0x10];
	s26 =	simm.s32 $0x5;
	v22 =	vsel vm14, v16, v18;
	v16 =	vsel vm15, v17, v18;
	v21 =	vsel vm1, s29, v6  }
0x12a: {  	s30 =	simm.s32 $0x2;
	s25 =	simm.s32 $0x3;
	v26 =	vld [tilespmem:s23+$0x20];
	s28 =	simm.s32 $0x6;
	v23 =	vsel vm13, s31, v6;
	v24 =	vsel vm14, s26, v6;
	v17 =	vsel vm0, v19, v18  }
0x12b: {  	s21 =	simm.s32 $0xF;
	s24 =	simm.s32 $0x17;
	v28 =	vld [tilespmem:s23+$0x30];
	s23 =	simm.s32 $0x8140;
	v18 =	vsel vm2, s30, v6;
	v19 =	vsel vm3, s25, v6;
	v25 =	vsel vm15, s28, v6  }
.LBB2_10:
0x12c: {  	v30 =	vld [tilespmem:s23+$0xFFFFFFC0];
	p0 =	sne.s32 s24, $0x7FF;
	s25 =	sadd.s32 $0xFFFFFFF9, s21;
	vm2 =	vgt.f32 v27, v8;
	vm1 =	vgt.f32 v7, v9;
	v6 =	vsel vm0, s22, v6;
	s22 =	smov.u32 s21  }
0x12d: {  	s21 =	smov.u32 s24;
	v8 =	vsel vm2, v27, v8;
	v10 =	vsel vm2, s25, v10;
	v9 =	vsel vm1, v7, v9;
	v7 =	vld [tilespmem:s23+$0xFFFFFFD0]  }
0x12e: {  	vm3 =	vgt.f32 v11, v13;
	vm2 =	vgt.f32 v29, v12;
	vm4 =	vgt.f32 v20, v14;
	v31 =	vld [tilespmem:s23+$0xFFFFFFE0]  }
.Ltmp4:
0x12f: {  	v13 =	vsel vm3, v11, v13;
	v12 =	vsel vm2, v29, v12;
	v14 =	vsel vm4, v20, v14;
	v11 =	vld [tilespmem:s23+$0xFFFFFFF0];
	(pc) =	sbr.rel @p0 .LBB2_10-.Ltmp4, $4  }
0x130: {  	vm5 =	vgt.f32 v15, v22;
	vm6 =	vgt.f32 v26, v16;
	v20 =	vld [tilespmem:s23+$0x0];
	vm0 =	vgt.f32 v28, v17  }
0x131: {  	s25 =	sadd.s32 $0xFFFFFFFA, s22;
	s26 =	sadd.s32 $0xFFFFFFFB, s22;
	s28 =	sadd.s32 $0xFFFFFFFC, s22;
	v22 =	vsel vm5, v15, v22;
	v16 =	vsel vm6, v26, v16;
	v15 =	vld [tilespmem:s23+$0x10];
	v17 =	vsel vm0, v28, v17;
	v27 =	vmovc v30  }
0x132: {  	v21 =	vsel vm1, s25, v21;
	v18 =	vsel vm2, s26, v18;
	v19 =	vsel vm3, s28, v19;
	s25 =	sadd.s32 $0xFFFFFFFD, s22;
	s26 =	sadd.s32 $0xFFFFFFFE, s22;
	s28 =	sadd.s32 $0xFFFFFFFF, s22;
	v26 =	vld [tilespmem:s23+$0x20]  }
0x133: {  	s24 =	sadd.s32 $0x8, s24;
	v23 =	vsel vm4, s25, v23;
	v24 =	vsel vm5, s26, v24;
	v25 =	vsel vm6, s28, v25;
	v28 =	vld [tilespmem:s23+$0x30];
	s23 =	sadd.s32 $0x80, s23;
	v29 =	vmovc v31  }
0x134: {  	vm1 =	vgt.f32 v27, v8  }
0x135: {  	s23 =	sadd.s32 $0xFFFFFFF9, s21;
	vm2 =	vgt.f32 v7, v9;
	v6 =	vsel vm0, s22, v6;
	vm10 =	vgt.f32 v29, v12  }
0x136: {  	vm11 =	vgt.f32 v11, v13;
	v8 =	vsel vm1, v27, v8;
	v10 =	vsel vm1, s23, v10  }
0x137: {  	s30 =	sadd.s32 $0xFFFFFFFA, s21;
	s31 =	sadd.s32 $0xFFFFFFFB, s21;
	v7 =	vsel vm2, v7, v9;
	vm3 =	vgt.f32 v20, v14;
	v45 =	vsel vm10, v29, v12  }
0x138: {  	s24 =	sadd.s32 $0xFFFFFFFC, s21;
	v11 =	vsel vm11, v11, v13;
	v50 =	vsel vm2, s30, v21;
	v51 =	vsel vm10, s31, v18  }
0x139: {  	s25 =	sadd.s32 $0xFFFFFFFD, s21;
	v52 =	vsel vm11, s24, v19;
	v46 =	vsel vm3, v20, v14;
	vm4 =	vgt.f32 v15, v22  }
0x13a: {  	v53 =	vsel vm3, s25, v23;
	v10 =	vshll.u32 v10, $0x4;
	v18 =	vshll.u32 v52, $0x4  }
0x13b: {  	vm12 =	vgt.f32 v7, v8;
	vm13 =	veq.f32 v7, v8;
	vm15 =	veq.f32 v11, v45  }
0x13c: {  	s26 =	sadd.s32 $0xFFFFFFFE, s21;
	vm9 =	vgt.f32 v11, v45;
	vm5 =	vgt.f32 v26, v16;
	v47 =	vsel vm4, v15, v22  }
0x13d: {  	s28 =	sadd.s32 $0xFFFFFFFF, s21;
	v54 =	vsel vm4, s26, v24;
	v19 =	vshll.u32 v53, $0x4;
	vm6 =	vgt.f32 v28, v17  }
0x13e: {  	v48 =	vsel vm5, v26, v16;
	v55 =	vsel vm5, s28, v25;
	v16 =	vshll.u32 v50, $0x4  }
0x13f: {  	v20 =	vshll.u32 v54, $0x4;
	vm11 =	vgt.f32 v47, v46;
	v49 =	vsel vm6, v28, v17  }
0x140: {  	v6 =	vsel vm6, s21, v6;
	v17 =	vshll.u32 v51, $0x4;
	vm14 =	vlt.s32 v16, v10  }
0x141: {  	v21 =	vshll.u32 v55, $0x4;
	vm8 =	vlt.s32 v18, v17;
	vm1 =	vmand vm13, vm14  }
0x142: {  	v6 =	vshll.u32 v6, $0x4;
	vm13 =	vlt.s32 v20, v19;
	vm14 =	veq.f32 v49, v48  }
0x143: {  	vm6 =	vgt.f32 v49, v48;
	vm3 =	vmand vm15, vm8;
	vm0 =	vmor vm12, vm1  }
0x144: {  	vm12 =	veq.f32 v47, v46;
	vm15 =	vlt.s32 v6, v21;
	vm10 =	vmor vm9, vm3  }
0x145: {  	v7 =	vsel vm0, v7, v8;
	v56 =	vsel vm0, v16, v10;
	vm2 =	vmand vm12, vm13  }
0x146: {  	vm3 =	vmand vm14, vm15;
	v9 =	vsel vm10, v11, v45;
	vm0 =	vmor vm11, vm2  }
0x147: {  	v57 =	vsel vm10, v18, v17;
	vm7 =	vmor vm6, vm3;
	v58 =	vsel vm0, v47, v46  }
0x148: {  	v59 =	vsel vm0, v20, v19;
	v60 =	vsel vm7, v49, v48;
	v6 =	vsel vm7, v6, v21  }
0x149: {  	vm8 =	vgt.f32 v9, v7;
	vm9 =	veq.f32 v9, v7;
	vm10 =	vlt.s32 v57, v56  }
0x14a: {  	vm1 =	vmand vm9, vm10;
	vm11 =	veq.f32 v60, v58;
	vm12 =	vlt.s32 v6, v59  }
0x14b: {  	vm13 =	vgt.f32 v60, v58;
	vm0 =	vmor vm8, vm1;
	vm2 =	vmand vm11, vm12  }
0x14c: {  	v7 =	vsel vm0, v9, v7;
	vm1 =	vmor vm13, vm2  }
0x14d: {  	v8 =	vsel vm0, v57, v56;
	v61 =	vsel vm1, v60, v58;
	v6 =	vsel vm1, v6, v59  }
0x14e: {  	vm14 =	veq.f32 v61, v7;
	vm1 =	vlt.s32 v6, v8  }
0x14f: {  	vm15 =	vgt.f32 v61, v7;
	vm0 =	vmand vm14, vm1  }
0x150: {  	vm0 =	vmor vm15, vm0  }
0x151: {  	v6 =	vsel vm0, v6, v8  }
0x152: {  	v7 =	vsel vm0, v61, v7;
	v6 =	vor.u32 v1, v6  }
0x153: {  	v62 =	vperm.xlane v7, v2;
	v63 =	vperm.xlane v6, v2;
	_ =	sdelay $0x1  }
0x154: {  	vm0 =	veq.f32 v62, v7;
	vm4 =	vlt.s32 v63, v6  }
0x155: {  	vm5 =	vgt.f32 v62, v7;
	vm0 =	vmand vm0, vm4  }
0x156: {  	vm0 =	vmor vm5, vm0  }
0x157: {  	v7 =	vsel vm0, v62, v7;
	v6 =	vsel vm0, v63, v6  }
0x158: {  	v8 =	vperm.xlane v7, v3;
	v9 =	vperm.xlane v6, v3;
	_ =	sdelay $0x1  }
0x159: {  	vm6 =	veq.f32 v8, v7;
	vm7 =	vlt.s32 v9, v6  }
0x15a: {  	vm8 =	vgt.f32 v8, v7;
	vm0 =	vmand vm6, vm7  }
0x15b: {  	vm0 =	vmor vm8, vm0  }
0x15c: {  	v7 =	vsel vm0, v8, v7;
	v6 =	vsel vm0, v9, v6  }
0x15d: {  	v8 =	vperm.xlane v7, v4;
	v9 =	vperm.xlane v6, v4;
	_ =	sdelay $0x1  }
0x15e: {  	vm9 =	veq.f32 v8, v7;
	vm10 =	vlt.s32 v9, v6  }
0x15f: {  	vm11 =	vgt.f32 v8, v7;
	vm0 =	vmand vm9, vm10  }
0x160: {  	vm0 =	vmor vm11, vm0  }
0x161: {  	v7 =	vsel vm0, v8, v7;
	v6 =	vsel vm0, v9, v6  }
0x162: {  	v8 =	vperm.xlane v7, v5;
	v9 =	vperm.xlane v6, v5;
	_ =	sdelay $0x1  }
0x163: {  	vm12 =	veq.f32 v8, v7;
	vm13 =	vlt.s32 v9, v6  }
0x164: {  	vm14 =	vgt.f32 v8, v7;
	vm0 =	vmand vm12, vm13  }
0x165: {  	vm0 =	vmor vm14, vm0  }
0x166: {  	v6 =	vsel vm0, v9, v6  }
0x167: {  	(v2sf) =	vpush v6, $0x0;
	_ =	sdelay $0xe  }
0x168: {  	s29 =	spop (v2sf)  }
0x169: {  	s30 =	sand.u32 $0xF, s29;
	_ =	swait.ge [sflag:s18], $0x8000  }
0x16a: {  	v6 =	vmov s30;
	[sflag:s18] =	ssyncset.done $0x0  }
0x16b: {  	s19 =	sadd.s32 $0x1, s19;
	vm15 =	veq.s32 v6, v1;
	[sflag:s18] =	ssyncadd.s32 $0xFFFF8000  }
0x16c: {  	p0 =	sne.s32 s19, s11;
	s31 =	sand.u32 $0xFFFFFFF0, s29;
	v6 =	vsel vm15, $0x3F800000, v0;
	[tilespmem:s20+$0x10000] =	vst v0  }
.Ltmp5:
0x16d: {  	[tilespmem:s31+$0x10000] =	vst v6;
	(pc) =	sbr.rel @p0 .LBB2_1-.Ltmp5, $4  }
0x16e: {  	[hbm4b:s10+s12] =	stream.strided.scatter [tilespmem:s16], [sflag:$0x3], $0x8000, s13, s12, $0x38;
	[tilespmem:$0x18000] =	vst v63  }
0x16f: {  	_ =	swait.ge [sflag:s18], $0x8000  }
0x170: {  	[sflag:s18] =	ssyncset.done $0x0  }
0x171: {  	[sflag:s18] =	ssyncadd.s32 $0xFFFF8000  }
0x172: {  	_ =	sfence.sel $0x180000  }
0x173: {  	[bflag:$0x0] =	sbarrier.arrive $0xFFFF  }
0x174: {  	p0 =	sne.s32 s2, $0x0;
	_ =	strace $0x90000047  }
0x175: {  	s0 =	sadd.s32 @!p0 $0x100000, s0;
	[bflag:$0x2] =	sbarrier.arrive $0xFFFF  }
0x176: {  	[sflag:s0] =	ssyncadd.tile.s32 @!p0 $0x1;
	_ =	shalt  }
.Lfunc_end2:
_tile_overlayer_lowered:
.L_overlay_start_2:
0x177: {  	(tag) =	ssettag $0x2  }
0x178: {  	s0 =	rddreg [dreg:$0x0];
	s2 =	stileid.u32  }
0x179: {  	s1 =	rddreg [dreg:$0x1];
	p0 =	sne.s32 s2, $0x0  }
0x17a: {  	s3 =	rddreg [dreg:$0x2];
	[bflag:$0x3] =	sbarrier.arrive $0xFFFF;
	s2 =	simm.s32 @!p0 $0x1C04  }
0x17b: {  	[timem:s3], [sflag:s2] =	dma.local @!p0 [hbm:s0], s1  }
0x17c: {  	s0 =	simm.s32 @!p0 $0x4  }
0x17d: {  	_ =	swait.ge @!p0 [sflag:s0], s1  }
0x17e: {  	s1 =	ssub.s32 @!p0 $0x0, s1;
	[sflag:s0] =	ssyncset.done @!p0 $0x0  }
0x17f: {  	[sflag:s0] =	ssyncadd.s32 @!p0 s1  }
0x180: {  	[bflag:$0x3] =	sbarrier.arrive $0xFFFF  }
0x181: {  	_ =	shalt  }

</sc_bundles>
